<compile_context>
chip_gen: v7x
topology: tpu7x:2x2x1
jax: 0.10.2.dev20260603
libtpu: 0.0.44.dev20260713+nightly
codegen_flags: <defaults>
</compile_context>

<pallas_src>
import functools

import jax
import jax.numpy as jnp
import numpy as np
from jax import lax
from jax.experimental import pallas as pl
from jax.experimental.pallas import tpu as pltpu
from jax.experimental.pallas import tpu_sc as plsc

_BS = 32
_ROWS = 2 * _BS
_ROW_W = 160000
_C = 32000
_P = _ROW_W // _C
_NCHUNK = _ROWS * _P

_PERM = np.array([22, 18, 6, 26, 21, 27, 10, 20, 24, 4, 31, 14, 0, 3, 5, 17,
                  28, 2, 23, 1, 8, 16, 30, 7, 19, 15, 9, 13, 11, 25, 12, 29],
                 dtype=np.int64)

_S = 1
_PAD = 8
_NBUF = 4


def _chunk_map(nw: int) -> np.ndarray:
    src_row = np.concatenate([_PERM, np.arange(_BS, _ROWS)])
    out_chunk = np.arange(_NCHUNK)
    src_chunk = (src_row[out_chunk // _P] * _P + out_chunk % _P).astype(np.int32)
    k = _NCHUNK // nw
    nbatch = k // _S
    g = src_chunk.reshape(nw, nbatch, _S)
    pad = np.repeat(g[:, :, :1], _PAD - _S, axis=2)
    return np.concatenate([g, pad], axis=2)


def _build_sc_copy(nw: int):
    assert _NCHUNK % nw == 0
    k = _NCHUNK // nw
    nbatch = k // _S
    mesh = plsc.VectorSubcoreMesh(core_axis_name="c", subcore_axis_name="s")
    nc = plsc.get_sparse_core_info().num_cores

    @functools.partial(
        pl.kernel,
        mesh=mesh,
        out_type=jax.ShapeDtypeStruct((_NCHUNK, 1, _C), jnp.float32),
        scratch_types=(
            [pltpu.VMEM((nbatch, _PAD), jnp.int32)]
            + [pltpu.VMEM((_S, 1, _C), jnp.float32)] * _NBUF
            + [pltpu.SemaphoreType.DMA] * (2 * _NBUF)
        ),
    )
    def sc_copy(src, gmap, out, idx_v, *rest):
        bufs = rest[:_NBUF]
        gsems = rest[_NBUF:2 * _NBUF]
        wsems = rest[2 * _NBUF:]
        wid = lax.axis_index("s") * nc + lax.axis_index("c")
        base = wid * k
        pltpu.sync_copy(gmap.at[wid], idx_v)
        gets = [None] * nbatch
        puts = [None] * nbatch
        for j in range(nbatch):
            slot = j % _NBUF
            if j >= _NBUF:
                puts[j - _NBUF].wait()
            gets[j] = pltpu.async_copy(
                src.at[idx_v.at[j, pl.ds(0, _S)]], bufs[slot], gsems[slot])
            if j > 0:
                pj = j - 1
                gets[pj].wait()
                puts[pj] = pltpu.async_copy(
                    bufs[pj % _NBUF], out.at[pl.ds(base + pj * _S, _S)],
                    wsems[pj % _NBUF])
        last = nbatch - 1
        gets[last].wait()
        puts[last] = pltpu.async_copy(
            bufs[last % _NBUF], out.at[pl.ds(base + last * _S, _S)],
            wsems[last % _NBUF])
        for j in range(max(0, nbatch - _NBUF), nbatch):
            puts[j].wait()

    return sc_copy


def kernel(sources):
    info = plsc.get_sparse_core_info()
    nw = info.num_cores * info.num_subcores
    gmap = jnp.asarray(_chunk_map(nw))
    src = sources.reshape(_NCHUNK, 1, _C)
    out = _build_sc_copy(nw)(src, gmap)
    return out.reshape(sources.shape)

# --- scband reference (transcript-rebuilt; emitter-appended) ---
"""Pipeline reference for scband-remix-38036230374044 (READ-ONLY COPY).

The authoritative reference and input builder live on the scoring server;
editing this copy changes nothing except your own understanding.
"""

import jax, jax.numpy as jnp
import numpy as np


def setup_inputs(seed: int = 0) -> dict:
    key = jax.random.key(seed)
    sources = jax.random.normal(key, (2, 32, 1, 160000), dtype=jnp.float32)
    return {"sources": sources}


def reference(sources):
    # Remix: permute the noise across the batch dimension, keep clean as-is.
    noise = sources[0]
    clean = sources[1]
    bs = noise.shape[0]
    # torch: perm = th.argsort(th.rand(bs), dim=0) -> a random permutation of [0, bs)
    perm_key = jax.random.key(42)
    perm = jnp.argsort(jax.random.uniform(perm_key, (bs,)))
    return jnp.stack([noise[perm], clean])

if __name__ == "__main__":
    import jax
    _d = setup_inputs()
    print(jax.jit(kernel)(*tuple(_d.values())))

</pallas_src>

<mosaic_0001>
#map = affine_map<(d0, d1) -> (0, 0, 0)>
module attributes {stable_mosaic.version = 14 : i64} {
  func.func @sc_copy(%arg0: i32, %arg1: i32, %arg2: memref<320x1x32000xf32, #tpu.memory_space<hbm>>, %arg3: memref<32x10x8xi32, #tpu.memory_space<hbm>>, %arg4: memref<320x1x32000xf32, #tpu.memory_space<hbm>>, %arg5: memref<10x8xi32, #tpu.memory_space<vmem>>, %arg6: memref<1x1x32000xf32, #tpu.memory_space<vmem>>, %arg7: memref<1x1x32000xf32, #tpu.memory_space<vmem>>, %arg8: memref<1x1x32000xf32, #tpu.memory_space<vmem>>, %arg9: memref<1x1x32000xf32, #tpu.memory_space<vmem>>, %arg10: memref<!tpu.dma_semaphore, #tpu.memory_space<semaphore_mem>>, %arg11: memref<!tpu.dma_semaphore, #tpu.memory_space<semaphore_mem>>, %arg12: memref<!tpu.dma_semaphore, #tpu.memory_space<semaphore_mem>>, %arg13: memref<!tpu.dma_semaphore, #tpu.memory_space<semaphore_mem>>, %arg14: memref<!tpu.dma_semaphore, #tpu.memory_space<semaphore_mem>>, %arg15: memref<!tpu.dma_semaphore, #tpu.memory_space<semaphore_mem>>, %arg16: memref<!tpu.dma_semaphore, #tpu.memory_space<semaphore_mem>>, %arg17: memref<!tpu.dma_semaphore, #tpu.memory_space<semaphore_mem>>) attributes {dimension_semantics = [#tpu.dimension_semantics<core_parallel>, #tpu.dimension_semantics<subcore_parallel>], iteration_bounds = array<i64: 2, 16>, scalar_prefetch = 0 : i64, scratch_operands = 13 : i64, tpu.core_type = #tpu.core_type<sc_vector_subcore>, window_params = [{transform_indices = #map}, {transform_indices = #map}, {transform_indices = #map}]} {
    %mul3A = arith.constant 2 : i32
    %mul3A_0 = arith.muli %arg1, %mul3A : i32
    %add3A = arith.addi %mul3A_0, %arg0 : i32
    %mul3A_1 = arith.constant 10 : i32
    %mul3A_2 = arith.muli %add3A, %mul3A_1 : i32
    "tpu.region"() ({
      %run_scoped3A = tpu.sem_alloc : memref<!tpu.dma_semaphore, #tpu.memory_space<semaphore_mem>>
      %dma_start3A_301 = arith.constant 0 : i32
      %dma_start3A_302 = arith.constant 0 : i32
      %dma_start3A_303 = tpu.memref_slice %arg3[%add3A, %dma_start3A_301, %dma_start3A_302] : memref<32x10x8xi32, #tpu.memory_space<hbm>> -> memref<1x10x8xi32, #tpu.memory_space<hbm>>
      %dma_start3A_304 = tpu.memref_squeeze %dma_start3A_303 : memref<1x10x8xi32, #tpu.memory_space<hbm>> -> memref<10x8xi32, #tpu.memory_space<hbm>>
      %dma_start3A_305 = arith.constant 0 : i32
      %dma_start3A_306 = arith.constant 0 : i32
      %dma_start3A_307 = tpu.memref_slice %arg3[%add3A, %dma_start3A_305, %dma_start3A_306] : memref<32x10x8xi32, #tpu.memory_space<hbm>> -> memref<1x10x8xi32, #tpu.memory_space<hbm>>
      %dma_start3A_308 = tpu.memref_squeeze %dma_start3A_307 : memref<1x10x8xi32, #tpu.memory_space<hbm>> -> memref<10x8xi32, #tpu.memory_space<hbm>>
      tpu.enqueue_dma source(%dma_start3A_308 : memref<10x8xi32, #tpu.memory_space<hbm>>) target(%arg5 : memref<10x8xi32, #tpu.memory_space<vmem>>) target_semaphore(%run_scoped3A : memref<!tpu.dma_semaphore, #tpu.memory_space<semaphore_mem>>)
      %dma_wait3A_309 = arith.constant 0 : i32
      %dma_wait3A_310 = arith.constant 0 : i32
      %dma_wait3A_311 = tpu.memref_slice %arg3[%add3A, %dma_wait3A_309, %dma_wait3A_310] : memref<32x10x8xi32, #tpu.memory_space<hbm>> -> memref<1x10x8xi32, #tpu.memory_space<hbm>>
      %dma_wait3A_312 = tpu.memref_squeeze %dma_wait3A_311 : memref<1x10x8xi32, #tpu.memory_space<hbm>> -> memref<10x8xi32, #tpu.memory_space<hbm>>
      %dma_wait3A_313 = arith.constant 0 : i32
      %dma_wait3A_314 = arith.constant 0 : i32
      %dma_wait3A_315 = tpu.memref_slice %arg3[%add3A, %dma_wait3A_313, %dma_wait3A_314] : memref<32x10x8xi32, #tpu.memory_space<hbm>> -> memref<1x10x8xi32, #tpu.memory_space<hbm>>
      %dma_wait3A_316 = tpu.memref_squeeze %dma_wait3A_315 : memref<1x10x8xi32, #tpu.memory_space<hbm>> -> memref<10x8xi32, #tpu.memory_space<hbm>>
      tpu.wait_dma2 semaphore(%run_scoped3A : memref<!tpu.dma_semaphore, #tpu.memory_space<semaphore_mem>>) src(%dma_wait3A_316 : memref<10x8xi32, #tpu.memory_space<hbm>>) dst(%arg5 : memref<10x8xi32, #tpu.memory_space<vmem>>)
      tpu.yield
    }) : () -> ()
    %dma_start3A = arith.constant 0 : i32
    %dma_start3A_3 = arith.constant 0 : i32
    %dma_start3A_4 = tpu.memref_slice %arg5[%dma_start3A, %dma_start3A_3] : memref<10x8xi32, #tpu.memory_space<vmem>> -> memref<1x1xi32, #tpu.memory_space<vmem>>
    %dma_start3A_5 = tpu.memref_squeeze %dma_start3A_4 : memref<1x1xi32, #tpu.memory_space<vmem>> -> memref<1xi32, #tpu.memory_space<vmem>>
    %dma_start3A_6 = arith.constant 0 : i32
    %dma_start3A_7 = arith.constant 0 : i32
    %dma_start3A_8 = arith.constant 0 : i32
    %dma_start3A_9 = tpu.memref_slice %arg2[%dma_start3A_6, %dma_start3A_7, %dma_start3A_8] : memref<320x1x32000xf32, #tpu.memory_space<hbm>> -> memref<320x1x32000xf32, #tpu.memory_space<hbm>>
    tpu.enqueue_indirect_dma source(%dma_start3A_9 : memref<320x1x32000xf32, #tpu.memory_space<hbm>>) target(%arg6 : memref<1x1x32000xf32, #tpu.memory_space<vmem>>) offsets(%dma_start3A_5 : memref<1xi32, #tpu.memory_space<vmem>>) semaphore(%arg10 : memref<!tpu.dma_semaphore, #tpu.memory_space<semaphore_mem>>)
    %dma_start3A_10 = arith.constant 1 : i32
    %dma_start3A_11 = arith.constant 0 : i32
    %dma_start3A_12 = tpu.memref_slice %arg5[%dma_start3A_10, %dma_start3A_11] : memref<10x8xi32, #tpu.memory_space<vmem>> -> memref<1x1xi32, #tpu.memory_space<vmem>>
    %dma_start3A_13 = tpu.memref_squeeze %dma_start3A_12 : memref<1x1xi32, #tpu.memory_space<vmem>> -> memref<1xi32, #tpu.memory_space<vmem>>
    %dma_start3A_14 = arith.constant 0 : i32
    %dma_start3A_15 = arith.constant 0 : i32
    %dma_start3A_16 = arith.constant 0 : i32
    %dma_start3A_17 = tpu.memref_slice %arg2[%dma_start3A_14, %dma_start3A_15, %dma_start3A_16] : memref<320x1x32000xf32, #tpu.memory_space<hbm>> -> memref<320x1x32000xf32, #tpu.memory_space<hbm>>
    tpu.enqueue_indirect_dma source(%dma_start3A_17 : memref<320x1x32000xf32, #tpu.memory_space<hbm>>) target(%arg7 : memref<1x1x32000xf32, #tpu.memory_space<vmem>>) offsets(%dma_start3A_13 : memref<1xi32, #tpu.memory_space<vmem>>) semaphore(%arg11 : memref<!tpu.dma_semaphore, #tpu.memory_space<semaphore_mem>>)
    %dma_wait3A = arith.constant 0 : i32
    %dma_wait3A_18 = arith.constant 0 : i32
    %dma_wait3A_19 = tpu.memref_slice %arg5[%dma_wait3A, %dma_wait3A_18] : memref<10x8xi32, #tpu.memory_space<vmem>> -> memref<1x1xi32, #tpu.memory_space<vmem>>
    %dma_wait3A_20 = tpu.memref_squeeze %dma_wait3A_19 : memref<1x1xi32, #tpu.memory_space<vmem>> -> memref<1xi32, #tpu.memory_space<vmem>>
    %dma_wait3A_21 = arith.constant 0 : i32
    %dma_wait3A_22 = arith.constant 0 : i32
    %dma_wait3A_23 = arith.constant 0 : i32
    %dma_wait3A_24 = tpu.memref_slice %arg2[%dma_wait3A_21, %dma_wait3A_22, %dma_wait3A_23] : memref<320x1x32000xf32, #tpu.memory_space<hbm>> -> memref<320x1x32000xf32, #tpu.memory_space<hbm>>
    tpu.wait_indirect_dma semaphore(%arg10 : memref<!tpu.dma_semaphore, #tpu.memory_space<semaphore_mem>>) src(%dma_wait3A_24 : memref<320x1x32000xf32, #tpu.memory_space<hbm>>) dst(%arg6 : memref<1x1x32000xf32, #tpu.memory_space<vmem>>)
    %add3A_25 = arith.constant 0 : i32
    %add3A_26 = arith.addi %mul3A_2, %add3A_25 : i32
    %dma_start3A_27 = arith.constant 0 : i32
    %dma_start3A_28 = arith.constant 0 : i32
    %dma_start3A_29 = tpu.memref_slice %arg4[%add3A_26, %dma_start3A_27, %dma_start3A_28] : memref<320x1x32000xf32, #tpu.memory_space<hbm>> -> memref<1x1x32000xf32, #tpu.memory_space<hbm>>
    %dma_start3A_30 = arith.constant 0 : i32
    %dma_start3A_31 = arith.constant 0 : i32
    %dma_start3A_32 = tpu.memref_slice %arg4[%add3A_26, %dma_start3A_30, %dma_start3A_31] : memref<320x1x32000xf32, #tpu.memory_space<hbm>> -> memref<1x1x32000xf32, #tpu.memory_space<hbm>>
    tpu.enqueue_dma source(%arg6 : memref<1x1x32000xf32, #tpu.memory_space<vmem>>) target(%dma_start3A_32 : memref<1x1x32000xf32, #tpu.memory_space<hbm>>) target_semaphore(%arg14 : memref<!tpu.dma_semaphore, #tpu.memory_space<semaphore_mem>>)
    %dma_start3A_33 = arith.constant 2 : i32
    %dma_start3A_34 = arith.constant 0 : i32
    %dma_start3A_35 = tpu.memref_slice %arg5[%dma_start3A_33, %dma_start3A_34] : memref<10x8xi32, #tpu.memory_space<vmem>> -> memref<1x1xi32, #tpu.memory_space<vmem>>
    %dma_start3A_36 = tpu.memref_squeeze %dma_start3A_35 : memref<1x1xi32, #tpu.memory_space<vmem>> -> memref<1xi32, #tpu.memory_space<vmem>>
    %dma_start3A_37 = arith.constant 0 : i32
    %dma_start3A_38 = arith.constant 0 : i32
    %dma_start3A_39 = arith.constant 0 : i32
    %dma_start3A_40 = tpu.memref_slice %arg2[%dma_start3A_37, %dma_start3A_38, %dma_start3A_39] : memref<320x1x32000xf32, #tpu.memory_space<hbm>> -> memref<320x1x32000xf32, #tpu.memory_space<hbm>>
    tpu.enqueue_indirect_dma source(%dma_start3A_40 : memref<320x1x32000xf32, #tpu.memory_space<hbm>>) target(%arg8 : memref<1x1x32000xf32, #tpu.memory_space<vmem>>) offsets(%dma_start3A_36 : memref<1xi32, #tpu.memory_space<vmem>>) semaphore(%arg12 : memref<!tpu.dma_semaphore, #tpu.memory_space<semaphore_mem>>)
    %dma_wait3A_41 = arith.constant 1 : i32
    %dma_wait3A_42 = arith.constant 0 : i32
    %dma_wait3A_43 = tpu.memref_slice %arg5[%dma_wait3A_41, %dma_wait3A_42] : memref<10x8xi32, #tpu.memory_space<vmem>> -> memref<1x1xi32, #tpu.memory_space<vmem>>
    %dma_wait3A_44 = tpu.memref_squeeze %dma_wait3A_43 : memref<1x1xi32, #tpu.memory_space<vmem>> -> memref<1xi32, #tpu.memory_space<vmem>>
    %dma_wait3A_45 = arith.constant 0 : i32
    %dma_wait3A_46 = arith.constant 0 : i32
    %dma_wait3A_47 = arith.constant 0 : i32
    %dma_wait3A_48 = tpu.memref_slice %arg2[%dma_wait3A_45, %dma_wait3A_46, %dma_wait3A_47] : memref<320x1x32000xf32, #tpu.memory_space<hbm>> -> memref<320x1x32000xf32, #tpu.memory_space<hbm>>
    tpu.wait_indirect_dma semaphore(%arg11 : memref<!tpu.dma_semaphore, #tpu.memory_space<semaphore_mem>>) src(%dma_wait3A_48 : memref<320x1x32000xf32, #tpu.memory_space<hbm>>) dst(%arg7 : memref<1x1x32000xf32, #tpu.memory_space<vmem>>)
    %add3A_49 = arith.constant 1 : i32
    %add3A_50 = arith.addi %mul3A_2, %add3A_49 : i32
    %dma_start3A_51 = arith.constant 0 : i32
    %dma_start3A_52 = arith.constant 0 : i32
    %dma_start3A_53 = tpu.memref_slice %arg4[%add3A_50, %dma_start3A_51, %dma_start3A_52] : memref<320x1x32000xf32, #tpu.memory_space<hbm>> -> memref<1x1x32000xf32, #tpu.memory_space<hbm>>
    %dma_start3A_54 = arith.constant 0 : i32
    %dma_start3A_55 = arith.constant 0 : i32
    %dma_start3A_56 = tpu.memref_slice %arg4[%add3A_50, %dma_start3A_54, %dma_start3A_55] : memref<320x1x32000xf32, #tpu.memory_space<hbm>> -> memref<1x1x32000xf32, #tpu.memory_space<hbm>>
    tpu.enqueue_dma source(%arg7 : memref<1x1x32000xf32, #tpu.memory_space<vmem>>) target(%dma_start3A_56 : memref<1x1x32000xf32, #tpu.memory_space<hbm>>) target_semaphore(%arg15 : memref<!tpu.dma_semaphore, #tpu.memory_space<semaphore_mem>>)
    %dma_start3A_57 = arith.constant 3 : i32
    %dma_start3A_58 = arith.constant 0 : i32
    %dma_start3A_59 = tpu.memref_slice %arg5[%dma_start3A_57, %dma_start3A_58] : memref<10x8xi32, #tpu.memory_space<vmem>> -> memref<1x1xi32, #tpu.memory_space<vmem>>
    %dma_start3A_60 = tpu.memref_squeeze %dma_start3A_59 : memref<1x1xi32, #tpu.memory_space<vmem>> -> memref<1xi32, #tpu.memory_space<vmem>>
    %dma_start3A_61 = arith.constant 0 : i32
    %dma_start3A_62 = arith.constant 0 : i32
    %dma_start3A_63 = arith.constant 0 : i32
    %dma_start3A_64 = tpu.memref_slice %arg2[%dma_start3A_61, %dma_start3A_62, %dma_start3A_63] : memref<320x1x32000xf32, #tpu.memory_space<hbm>> -> memref<320x1x32000xf32, #tpu.memory_space<hbm>>
    tpu.enqueue_indirect_dma source(%dma_start3A_64 : memref<320x1x32000xf32, #tpu.memory_space<hbm>>) target(%arg9 : memref<1x1x32000xf32, #tpu.memory_space<vmem>>) offsets(%dma_start3A_60 : memref<1xi32, #tpu.memory_space<vmem>>) semaphore(%arg13 : memref<!tpu.dma_semaphore, #tpu.memory_space<semaphore_mem>>)
    %dma_wait3A_65 = arith.constant 2 : i32
    %dma_wait3A_66 = arith.constant 0 : i32
    %dma_wait3A_67 = tpu.memref_slice %arg5[%dma_wait3A_65, %dma_wait3A_66] : memref<10x8xi32, #tpu.memory_space<vmem>> -> memref<1x1xi32, #tpu.memory_space<vmem>>
    %dma_wait3A_68 = tpu.memref_squeeze %dma_wait3A_67 : memref<1x1xi32, #tpu.memory_space<vmem>> -> memref<1xi32, #tpu.memory_space<vmem>>
    %dma_wait3A_69 = arith.constant 0 : i32
    %dma_wait3A_70 = arith.constant 0 : i32
    %dma_wait3A_71 = arith.constant 0 : i32
    %dma_wait3A_72 = tpu.memref_slice %arg2[%dma_wait3A_69, %dma_wait3A_70, %dma_wait3A_71] : memref<320x1x32000xf32, #tpu.memory_space<hbm>> -> memref<320x1x32000xf32, #tpu.memory_space<hbm>>
    tpu.wait_indirect_dma semaphore(%arg12 : memref<!tpu.dma_semaphore, #tpu.memory_space<semaphore_mem>>) src(%dma_wait3A_72 : memref<320x1x32000xf32, #tpu.memory_space<hbm>>) dst(%arg8 : memref<1x1x32000xf32, #tpu.memory_space<vmem>>)
    %add3A_73 = arith.constant 2 : i32
    %add3A_74 = arith.addi %mul3A_2, %add3A_73 : i32
    %dma_start3A_75 = arith.constant 0 : i32
    %dma_start3A_76 = arith.constant 0 : i32
    %dma_start3A_77 = tpu.memref_slice %arg4[%add3A_74, %dma_start3A_75, %dma_start3A_76] : memref<320x1x32000xf32, #tpu.memory_space<hbm>> -> memref<1x1x32000xf32, #tpu.memory_space<hbm>>
    %dma_start3A_78 = arith.constant 0 : i32
    %dma_start3A_79 = arith.constant 0 : i32
    %dma_start3A_80 = tpu.memref_slice %arg4[%add3A_74, %dma_start3A_78, %dma_start3A_79] : memref<320x1x32000xf32, #tpu.memory_space<hbm>> -> memref<1x1x32000xf32, #tpu.memory_space<hbm>>
    tpu.enqueue_dma source(%arg8 : memref<1x1x32000xf32, #tpu.memory_space<vmem>>) target(%dma_start3A_80 : memref<1x1x32000xf32, #tpu.memory_space<hbm>>) target_semaphore(%arg16 : memref<!tpu.dma_semaphore, #tpu.memory_space<semaphore_mem>>)
    %dma_wait3A_81 = arith.constant 0 : i32
    %dma_wait3A_82 = arith.constant 0 : i32
    %dma_wait3A_83 = tpu.memref_slice %arg4[%add3A_26, %dma_wait3A_81, %dma_wait3A_82] : memref<320x1x32000xf32, #tpu.memory_space<hbm>> -> memref<1x1x32000xf32, #tpu.memory_space<hbm>>
    %dma_wait3A_84 = arith.constant 0 : i32
    %dma_wait3A_85 = arith.constant 0 : i32
    %dma_wait3A_86 = tpu.memref_slice %arg4[%add3A_26, %dma_wait3A_84, %dma_wait3A_85] : memref<320x1x32000xf32, #tpu.memory_space<hbm>> -> memref<1x1x32000xf32, #tpu.memory_space<hbm>>
    tpu.wait_dma2 semaphore(%arg14 : memref<!tpu.dma_semaphore, #tpu.memory_space<semaphore_mem>>) src(%arg6 : memref<1x1x32000xf32, #tpu.memory_space<vmem>>) dst(%dma_wait3A_86 : memref<1x1x32000xf32, #tpu.memory_space<hbm>>)
    %dma_start3A_87 = arith.constant 4 : i32
    %dma_start3A_88 = arith.constant 0 : i32
    %dma_start3A_89 = tpu.memref_slice %arg5[%dma_start3A_87, %dma_start3A_88] : memref<10x8xi32, #tpu.memory_space<vmem>> -> memref<1x1xi32, #tpu.memory_space<vmem>>
    %dma_start3A_90 = tpu.memref_squeeze %dma_start3A_89 : memref<1x1xi32, #tpu.memory_space<vmem>> -> memref<1xi32, #tpu.memory_space<vmem>>
    %dma_start3A_91 = arith.constant 0 : i32
    %dma_start3A_92 = arith.constant 0 : i32
    %dma_start3A_93 = arith.constant 0 : i32
    %dma_start3A_94 = tpu.memref_slice %arg2[%dma_start3A_91, %dma_start3A_92, %dma_start3A_93] : memref<320x1x32000xf32, #tpu.memory_space<hbm>> -> memref<320x1x32000xf32, #tpu.memory_space<hbm>>
    tpu.enqueue_indirect_dma source(%dma_start3A_94 : memref<320x1x32000xf32, #tpu.memory_space<hbm>>) target(%arg6 : memref<1x1x32000xf32, #tpu.memory_space<vmem>>) offsets(%dma_start3A_90 : memref<1xi32, #tpu.memory_space<vmem>>) semaphore(%arg10 : memref<!tpu.dma_semaphore, #tpu.memory_space<semaphore_mem>>)
    %dma_wait3A_95 = arith.constant 3 : i32
    %dma_wait3A_96 = arith.constant 0 : i32
    %dma_wait3A_97 = tpu.memref_slice %arg5[%dma_wait3A_95, %dma_wait3A_96] : memref<10x8xi32, #tpu.memory_space<vmem>> -> memref<1x1xi32, #tpu.memory_space<vmem>>
    %dma_wait3A_98 = tpu.memref_squeeze %dma_wait3A_97 : memref<1x1xi32, #tpu.memory_space<vmem>> -> memref<1xi32, #tpu.memory_space<vmem>>
    %dma_wait3A_99 = arith.constant 0 : i32
    %dma_wait3A_100 = arith.constant 0 : i32
    %dma_wait3A_101 = arith.constant 0 : i32
    %dma_wait3A_102 = tpu.memref_slice %arg2[%dma_wait3A_99, %dma_wait3A_100, %dma_wait3A_101] : memref<320x1x32000xf32, #tpu.memory_space<hbm>> -> memref<320x1x32000xf32, #tpu.memory_space<hbm>>
    tpu.wait_indirect_dma semaphore(%arg13 : memref<!tpu.dma_semaphore, #tpu.memory_space<semaphore_mem>>) src(%dma_wait3A_102 : memref<320x1x32000xf32, #tpu.memory_space<hbm>>) dst(%arg9 : memref<1x1x32000xf32, #tpu.memory_space<vmem>>)
    %add3A_103 = arith.constant 3 : i32
    %add3A_104 = arith.addi %mul3A_2, %add3A_103 : i32
    %dma_start3A_105 = arith.constant 0 : i32
    %dma_start3A_106 = arith.constant 0 : i32
    %dma_start3A_107 = tpu.memref_slice %arg4[%add3A_104, %dma_start3A_105, %dma_start3A_106] : memref<320x1x32000xf32, #tpu.memory_space<hbm>> -> memref<1x1x32000xf32, #tpu.memory_space<hbm>>
    %dma_start3A_108 = arith.constant 0 : i32
    %dma_start3A_109 = arith.constant 0 : i32
    %dma_start3A_110 = tpu.memref_slice %arg4[%add3A_104, %dma_start3A_108, %dma_start3A_109] : memref<320x1x32000xf32, #tpu.memory_space<hbm>> -> memref<1x1x32000xf32, #tpu.memory_space<hbm>>
    tpu.enqueue_dma source(%arg9 : memref<1x1x32000xf32, #tpu.memory_space<vmem>>) target(%dma_start3A_110 : memref<1x1x32000xf32, #tpu.memory_space<hbm>>) target_semaphore(%arg17 : memref<!tpu.dma_semaphore, #tpu.memory_space<semaphore_mem>>)
    %dma_wait3A_111 = arith.constant 0 : i32
    %dma_wait3A_112 = arith.constant 0 : i32
    %dma_wait3A_113 = tpu.memref_slice %arg4[%add3A_50, %dma_wait3A_111, %dma_wait3A_112] : memref<320x1x32000xf32, #tpu.memory_space<hbm>> -> memref<1x1x32000xf32, #tpu.memory_space<hbm>>
    %dma_wait3A_114 = arith.constant 0 : i32
    %dma_wait3A_115 = arith.constant 0 : i32
    %dma_wait3A_116 = tpu.memref_slice %arg4[%add3A_50, %dma_wait3A_114, %dma_wait3A_115] : memref<320x1x32000xf32, #tpu.memory_space<hbm>> -> memref<1x1x32000xf32, #tpu.memory_space<hbm>>
    tpu.wait_dma2 semaphore(%arg15 : memref<!tpu.dma_semaphore, #tpu.memory_space<semaphore_mem>>) src(%arg7 : memref<1x1x32000xf32, #tpu.memory_space<vmem>>) dst(%dma_wait3A_116 : memref<1x1x32000xf32, #tpu.memory_space<hbm>>)
    %dma_start3A_117 = arith.constant 5 : i32
    %dma_start3A_118 = arith.constant 0 : i32
    %dma_start3A_119 = tpu.memref_slice %arg5[%dma_start3A_117, %dma_start3A_118] : memref<10x8xi32, #tpu.memory_space<vmem>> -> memref<1x1xi32, #tpu.memory_space<vmem>>
    %dma_start3A_120 = tpu.memref_squeeze %dma_start3A_119 : memref<1x1xi32, #tpu.memory_space<vmem>> -> memref<1xi32, #tpu.memory_space<vmem>>
    %dma_start3A_121 = arith.constant 0 : i32
    %dma_start3A_122 = arith.constant 0 : i32
    %dma_start3A_123 = arith.constant 0 : i32
    %dma_start3A_124 = tpu.memref_slice %arg2[%dma_start3A_121, %dma_start3A_122, %dma_start3A_123] : memref<320x1x32000xf32, #tpu.memory_space<hbm>> -> memref<320x1x32000xf32, #tpu.memory_space<hbm>>
    tpu.enqueue_indirect_dma source(%dma_start3A_124 : memref<320x1x32000xf32, #tpu.memory_space<hbm>>) target(%arg7 : memref<1x1x32000xf32, #tpu.memory_space<vmem>>) offsets(%dma_start3A_120 : memref<1xi32, #tpu.memory_space<vmem>>) semaphore(%arg11 : memref<!tpu.dma_semaphore, #tpu.memory_space<semaphore_mem>>)
    %dma_wait3A_125 = arith.constant 4 : i32
    %dma_wait3A_126 = arith.constant 0 : i32
    %dma_wait3A_127 = tpu.memref_slice %arg5[%dma_wait3A_125, %dma_wait3A_126] : memref<10x8xi32, #tpu.memory_space<vmem>> -> memref<1x1xi32, #tpu.memory_space<vmem>>
    %dma_wait3A_128 = tpu.memref_squeeze %dma_wait3A_127 : memref<1x1xi32, #tpu.memory_space<vmem>> -> memref<1xi32, #tpu.memory_space<vmem>>
    %dma_wait3A_129 = arith.constant 0 : i32
    %dma_wait3A_130 = arith.constant 0 : i32
    %dma_wait3A_131 = arith.constant 0 : i32
    %dma_wait3A_132 = tpu.memref_slice %arg2[%dma_wait3A_129, %dma_wait3A_130, %dma_wait3A_131] : memref<320x1x32000xf32, #tpu.memory_space<hbm>> -> memref<320x1x32000xf32, #tpu.memory_space<hbm>>
    tpu.wait_indirect_dma semaphore(%arg10 : memref<!tpu.dma_semaphore, #tpu.memory_space<semaphore_mem>>) src(%dma_wait3A_132 : memref<320x1x32000xf32, #tpu.memory_space<hbm>>) dst(%arg6 : memref<1x1x32000xf32, #tpu.memory_space<vmem>>)
    %add3A_133 = arith.constant 4 : i32
    %add3A_134 = arith.addi %mul3A_2, %add3A_133 : i32
    %dma_start3A_135 = arith.constant 0 : i32
    %dma_start3A_136 = arith.constant 0 : i32
    %dma_start3A_137 = tpu.memref_slice %arg4[%add3A_134, %dma_start3A_135, %dma_start3A_136] : memref<320x1x32000xf32, #tpu.memory_space<hbm>> -> memref<1x1x32000xf32, #tpu.memory_space<hbm>>
    %dma_start3A_138 = arith.constant 0 : i32
    %dma_start3A_139 = arith.constant 0 : i32
    %dma_start3A_140 = tpu.memref_slice %arg4[%add3A_134, %dma_start3A_138, %dma_start3A_139] : memref<320x1x32000xf32, #tpu.memory_space<hbm>> -> memref<1x1x32000xf32, #tpu.memory_space<hbm>>
    tpu.enqueue_dma source(%arg6 : memref<1x1x32000xf32, #tpu.memory_space<vmem>>) target(%dma_start3A_140 : memref<1x1x32000xf32, #tpu.memory_space<hbm>>) target_semaphore(%arg14 : memref<!tpu.dma_semaphore, #tpu.memory_space<semaphore_mem>>)
    %dma_wait3A_141 = arith.constant 0 : i32
    %dma_wait3A_142 = arith.constant 0 : i32
    %dma_wait3A_143 = tpu.memref_slice %arg4[%add3A_74, %dma_wait3A_141, %dma_wait3A_142] : memref<320x1x32000xf32, #tpu.memory_space<hbm>> -> memref<1x1x32000xf32, #tpu.memory_space<hbm>>
    %dma_wait3A_144 = arith.constant 0 : i32
    %dma_wait3A_145 = arith.constant 0 : i32
    %dma_wait3A_146 = tpu.memref_slice %arg4[%add3A_74, %dma_wait3A_144, %dma_wait3A_145] : memref<320x1x32000xf32, #tpu.memory_space<hbm>> -> memref<1x1x32000xf32, #tpu.memory_space<hbm>>
    tpu.wait_dma2 semaphore(%arg16 : memref<!tpu.dma_semaphore, #tpu.memory_space<semaphore_mem>>) src(%arg8 : memref<1x1x32000xf32, #tpu.memory_space<vmem>>) dst(%dma_wait3A_146 : memref<1x1x32000xf32, #tpu.memory_space<hbm>>)
    %dma_start3A_147 = arith.constant 6 : i32
    %dma_start3A_148 = arith.constant 0 : i32
    %dma_start3A_149 = tpu.memref_slice %arg5[%dma_start3A_147, %dma_start3A_148] : memref<10x8xi32, #tpu.memory_space<vmem>> -> memref<1x1xi32, #tpu.memory_space<vmem>>
    %dma_start3A_150 = tpu.memref_squeeze %dma_start3A_149 : memref<1x1xi32, #tpu.memory_space<vmem>> -> memref<1xi32, #tpu.memory_space<vmem>>
    %dma_start3A_151 = arith.constant 0 : i32
    %dma_start3A_152 = arith.constant 0 : i32
    %dma_start3A_153 = arith.constant 0 : i32
    %dma_start3A_154 = tpu.memref_slice %arg2[%dma_start3A_151, %dma_start3A_152, %dma_start3A_153] : memref<320x1x32000xf32, #tpu.memory_space<hbm>> -> memref<320x1x32000xf32, #tpu.memory_space<hbm>>
    tpu.enqueue_indirect_dma source(%dma_start3A_154 : memref<320x1x32000xf32, #tpu.memory_space<hbm>>) target(%arg8 : memref<1x1x32000xf32, #tpu.memory_space<vmem>>) offsets(%dma_start3A_150 : memref<1xi32, #tpu.memory_space<vmem>>) semaphore(%arg12 : memref<!tpu.dma_semaphore, #tpu.memory_space<semaphore_mem>>)
    %dma_wait3A_155 = arith.constant 5 : i32
    %dma_wait3A_156 = arith.constant 0 : i32
    %dma_wait3A_157 = tpu.memref_slice %arg5[%dma_wait3A_155, %dma_wait3A_156] : memref<10x8xi32, #tpu.memory_space<vmem>> -> memref<1x1xi32, #tpu.memory_space<vmem>>
    %dma_wait3A_158 = tpu.memref_squeeze %dma_wait3A_157 : memref<1x1xi32, #tpu.memory_space<vmem>> -> memref<1xi32, #tpu.memory_space<vmem>>
    %dma_wait3A_159 = arith.constant 0 : i32
    %dma_wait3A_160 = arith.constant 0 : i32
    %dma_wait3A_161 = arith.constant 0 : i32
    %dma_wait3A_162 = tpu.memref_slice %arg2[%dma_wait3A_159, %dma_wait3A_160, %dma_wait3A_161] : memref<320x1x32000xf32, #tpu.memory_space<hbm>> -> memref<320x1x32000xf32, #tpu.memory_space<hbm>>
    tpu.wait_indirect_dma semaphore(%arg11 : memref<!tpu.dma_semaphore, #tpu.memory_space<semaphore_mem>>) src(%dma_wait3A_162 : memref<320x1x32000xf32, #tpu.memory_space<hbm>>) dst(%arg7 : memref<1x1x32000xf32, #tpu.memory_space<vmem>>)
    %add3A_163 = arith.constant 5 : i32
    %add3A_164 = arith.addi %mul3A_2, %add3A_163 : i32
    %dma_start3A_165 = arith.constant 0 : i32
    %dma_start3A_166 = arith.constant 0 : i32
    %dma_start3A_167 = tpu.memref_slice %arg4[%add3A_164, %dma_start3A_165, %dma_start3A_166] : memref<320x1x32000xf32, #tpu.memory_space<hbm>> -> memref<1x1x32000xf32, #tpu.memory_space<hbm>>
    %dma_start3A_168 = arith.constant 0 : i32
    %dma_start3A_169 = arith.constant 0 : i32
    %dma_start3A_170 = tpu.memref_slice %arg4[%add3A_164, %dma_start3A_168, %dma_start3A_169] : memref<320x1x32000xf32, #tpu.memory_space<hbm>> -> memref<1x1x32000xf32, #tpu.memory_space<hbm>>
    tpu.enqueue_dma source(%arg7 : memref<1x1x32000xf32, #tpu.memory_space<vmem>>) target(%dma_start3A_170 : memref<1x1x32000xf32, #tpu.memory_space<hbm>>) target_semaphore(%arg15 : memref<!tpu.dma_semaphore, #tpu.memory_space<semaphore_mem>>)
    %dma_wait3A_171 = arith.constant 0 : i32
    %dma_wait3A_172 = arith.constant 0 : i32
    %dma_wait3A_173 = tpu.memref_slice %arg4[%add3A_104, %dma_wait3A_171, %dma_wait3A_172] : memref<320x1x32000xf32, #tpu.memory_space<hbm>> -> memref<1x1x32000xf32, #tpu.memory_space<hbm>>
    %dma_wait3A_174 = arith.constant 0 : i32
    %dma_wait3A_175 = arith.constant 0 : i32
    %dma_wait3A_176 = tpu.memref_slice %arg4[%add3A_104, %dma_wait3A_174, %dma_wait3A_175] : memref<320x1x32000xf32, #tpu.memory_space<hbm>> -> memref<1x1x32000xf32, #tpu.memory_space<hbm>>
    tpu.wait_dma2 semaphore(%arg17 : memref<!tpu.dma_semaphore, #tpu.memory_space<semaphore_mem>>) src(%arg9 : memref<1x1x32000xf32, #tpu.memory_space<vmem>>) dst(%dma_wait3A_176 : memref<1x1x32000xf32, #tpu.memory_space<hbm>>)
    %dma_start3A_177 = arith.constant 7 : i32
    %dma_start3A_178 = arith.constant 0 : i32
    %dma_start3A_179 = tpu.memref_slice %arg5[%dma_start3A_177, %dma_start3A_178] : memref<10x8xi32, #tpu.memory_space<vmem>> -> memref<1x1xi32, #tpu.memory_space<vmem>>
    %dma_start3A_180 = tpu.memref_squeeze %dma_start3A_179 : memref<1x1xi32, #tpu.memory_space<vmem>> -> memref<1xi32, #tpu.memory_space<vmem>>
    %dma_start3A_181 = arith.constant 0 : i32
    %dma_start3A_182 = arith.constant 0 : i32
    %dma_start3A_183 = arith.constant 0 : i32
    %dma_start3A_184 = tpu.memref_slice %arg2[%dma_start3A_181, %dma_start3A_182, %dma_start3A_183] : memref<320x1x32000xf32, #tpu.memory_space<hbm>> -> memref<320x1x32000xf32, #tpu.memory_space<hbm>>
    tpu.enqueue_indirect_dma source(%dma_start3A_184 : memref<320x1x32000xf32, #tpu.memory_space<hbm>>) target(%arg9 : memref<1x1x32000xf32, #tpu.memory_space<vmem>>) offsets(%dma_start3A_180 : memref<1xi32, #tpu.memory_space<vmem>>) semaphore(%arg13 : memref<!tpu.dma_semaphore, #tpu.memory_space<semaphore_mem>>)
    %dma_wait3A_185 = arith.constant 6 : i32
    %dma_wait3A_186 = arith.constant 0 : i32
    %dma_wait3A_187 = tpu.memref_slice %arg5[%dma_wait3A_185, %dma_wait3A_186] : memref<10x8xi32, #tpu.memory_space<vmem>> -> memref<1x1xi32, #tpu.memory_space<vmem>>
    %dma_wait3A_188 = tpu.memref_squeeze %dma_wait3A_187 : memref<1x1xi32, #tpu.memory_space<vmem>> -> memref<1xi32, #tpu.memory_space<vmem>>
    %dma_wait3A_189 = arith.constant 0 : i32
    %dma_wait3A_190 = arith.constant 0 : i32
    %dma_wait3A_191 = arith.constant 0 : i32
    %dma_wait3A_192 = tpu.memref_slice %arg2[%dma_wait3A_189, %dma_wait3A_190, %dma_wait3A_191] : memref<320x1x32000xf32, #tpu.memory_space<hbm>> -> memref<320x1x32000xf32, #tpu.memory_space<hbm>>
    tpu.wait_indirect_dma semaphore(%arg12 : memref<!tpu.dma_semaphore, #tpu.memory_space<semaphore_mem>>) src(%dma_wait3A_192 : memref<320x1x32000xf32, #tpu.memory_space<hbm>>) dst(%arg8 : memref<1x1x32000xf32, #tpu.memory_space<vmem>>)
    %add3A_193 = arith.constant 6 : i32
    %add3A_194 = arith.addi %mul3A_2, %add3A_193 : i32
    %dma_start3A_195 = arith.constant 0 : i32
    %dma_start3A_196 = arith.constant 0 : i32
    %dma_start3A_197 = tpu.memref_slice %arg4[%add3A_194, %dma_start3A_195, %dma_start3A_196] : memref<320x1x32000xf32, #tpu.memory_space<hbm>> -> memref<1x1x32000xf32, #tpu.memory_space<hbm>>
    %dma_start3A_198 = arith.constant 0 : i32
    %dma_start3A_199 = arith.constant 0 : i32
    %dma_start3A_200 = tpu.memref_slice %arg4[%add3A_194, %dma_start3A_198, %dma_start3A_199] : memref<320x1x32000xf32, #tpu.memory_space<hbm>> -> memref<1x1x32000xf32, #tpu.memory_space<hbm>>
    tpu.enqueue_dma source(%arg8 : memref<1x1x32000xf32, #tpu.memory_space<vmem>>) target(%dma_start3A_200 : memref<1x1x32000xf32, #tpu.memory_space<hbm>>) target_semaphore(%arg16 : memref<!tpu.dma_semaphore, #tpu.memory_space<semaphore_mem>>)
    %dma_wait3A_201 = arith.constant 0 : i32
    %dma_wait3A_202 = arith.constant 0 : i32
    %dma_wait3A_203 = tpu.memref_slice %arg4[%add3A_134, %dma_wait3A_201, %dma_wait3A_202] : memref<320x1x32000xf32, #tpu.memory_space<hbm>> -> memref<1x1x32000xf32, #tpu.memory_space<hbm>>
    %dma_wait3A_204 = arith.constant 0 : i32
    %dma_wait3A_205 = arith.constant 0 : i32
    %dma_wait3A_206 = tpu.memref_slice %arg4[%add3A_134, %dma_wait3A_204, %dma_wait3A_205] : memref<320x1x32000xf32, #tpu.memory_space<hbm>> -> memref<1x1x32000xf32, #tpu.memory_space<hbm>>
    tpu.wait_dma2 semaphore(%arg14 : memref<!tpu.dma_semaphore, #tpu.memory_space<semaphore_mem>>) src(%arg6 : memref<1x1x32000xf32, #tpu.memory_space<vmem>>) dst(%dma_wait3A_206 : memref<1x1x32000xf32, #tpu.memory_space<hbm>>)
    %dma_start3A_207 = arith.constant 8 : i32
    %dma_start3A_208 = arith.constant 0 : i32
    %dma_start3A_209 = tpu.memref_slice %arg5[%dma_start3A_207, %dma_start3A_208] : memref<10x8xi32, #tpu.memory_space<vmem>> -> memref<1x1xi32, #tpu.memory_space<vmem>>
    %dma_start3A_210 = tpu.memref_squeeze %dma_start3A_209 : memref<1x1xi32, #tpu.memory_space<vmem>> -> memref<1xi32, #tpu.memory_space<vmem>>
    %dma_start3A_211 = arith.constant 0 : i32
    %dma_start3A_212 = arith.constant 0 : i32
    %dma_start3A_213 = arith.constant 0 : i32
    %dma_start3A_214 = tpu.memref_slice %arg2[%dma_start3A_211, %dma_start3A_212, %dma_start3A_213] : memref<320x1x32000xf32, #tpu.memory_space<hbm>> -> memref<320x1x32000xf32, #tpu.memory_space<hbm>>
    tpu.enqueue_indirect_dma source(%dma_start3A_214 : memref<320x1x32000xf32, #tpu.memory_space<hbm>>) target(%arg6 : memref<1x1x32000xf32, #tpu.memory_space<vmem>>) offsets(%dma_start3A_210 : memref<1xi32, #tpu.memory_space<vmem>>) semaphore(%arg10 : memref<!tpu.dma_semaphore, #tpu.memory_space<semaphore_mem>>)
    %dma_wait3A_215 = arith.constant 7 : i32
    %dma_wait3A_216 = arith.constant 0 : i32
    %dma_wait3A_217 = tpu.memref_slice %arg5[%dma_wait3A_215, %dma_wait3A_216] : memref<10x8xi32, #tpu.memory_space<vmem>> -> memref<1x1xi32, #tpu.memory_space<vmem>>
    %dma_wait3A_218 = tpu.memref_squeeze %dma_wait3A_217 : memref<1x1xi32, #tpu.memory_space<vmem>> -> memref<1xi32, #tpu.memory_space<vmem>>
    %dma_wait3A_219 = arith.constant 0 : i32
    %dma_wait3A_220 = arith.constant 0 : i32
    %dma_wait3A_221 = arith.constant 0 : i32
    %dma_wait3A_222 = tpu.memref_slice %arg2[%dma_wait3A_219, %dma_wait3A_220, %dma_wait3A_221] : memref<320x1x32000xf32, #tpu.memory_space<hbm>> -> memref<320x1x32000xf32, #tpu.memory_space<hbm>>
    tpu.wait_indirect_dma semaphore(%arg13 : memref<!tpu.dma_semaphore, #tpu.memory_space<semaphore_mem>>) src(%dma_wait3A_222 : memref<320x1x32000xf32, #tpu.memory_space<hbm>>) dst(%arg9 : memref<1x1x32000xf32, #tpu.memory_space<vmem>>)
    %add3A_223 = arith.constant 7 : i32
    %add3A_224 = arith.addi %mul3A_2, %add3A_223 : i32
    %dma_start3A_225 = arith.constant 0 : i32
    %dma_start3A_226 = arith.constant 0 : i32
    %dma_start3A_227 = tpu.memref_slice %arg4[%add3A_224, %dma_start3A_225, %dma_start3A_226] : memref<320x1x32000xf32, #tpu.memory_space<hbm>> -> memref<1x1x32000xf32, #tpu.memory_space<hbm>>
    %dma_start3A_228 = arith.constant 0 : i32
    %dma_start3A_229 = arith.constant 0 : i32
    %dma_start3A_230 = tpu.memref_slice %arg4[%add3A_224, %dma_start3A_228, %dma_start3A_229] : memref<320x1x32000xf32, #tpu.memory_space<hbm>> -> memref<1x1x32000xf32, #tpu.memory_space<hbm>>
    tpu.enqueue_dma source(%arg9 : memref<1x1x32000xf32, #tpu.memory_space<vmem>>) target(%dma_start3A_230 : memref<1x1x32000xf32, #tpu.memory_space<hbm>>) target_semaphore(%arg17 : memref<!tpu.dma_semaphore, #tpu.memory_space<semaphore_mem>>)
    %dma_wait3A_231 = arith.constant 0 : i32
    %dma_wait3A_232 = arith.constant 0 : i32
    %dma_wait3A_233 = tpu.memref_slice %arg4[%add3A_164, %dma_wait3A_231, %dma_wait3A_232] : memref<320x1x32000xf32, #tpu.memory_space<hbm>> -> memref<1x1x32000xf32, #tpu.memory_space<hbm>>
    %dma_wait3A_234 = arith.constant 0 : i32
    %dma_wait3A_235 = arith.constant 0 : i32
    %dma_wait3A_236 = tpu.memref_slice %arg4[%add3A_164, %dma_wait3A_234, %dma_wait3A_235] : memref<320x1x32000xf32, #tpu.memory_space<hbm>> -> memref<1x1x32000xf32, #tpu.memory_space<hbm>>
    tpu.wait_dma2 semaphore(%arg15 : memref<!tpu.dma_semaphore, #tpu.memory_space<semaphore_mem>>) src(%arg7 : memref<1x1x32000xf32, #tpu.memory_space<vmem>>) dst(%dma_wait3A_236 : memref<1x1x32000xf32, #tpu.memory_space<hbm>>)
    %dma_start3A_237 = arith.constant 9 : i32
    %dma_start3A_238 = arith.constant 0 : i32
    %dma_start3A_239 = tpu.memref_slice %arg5[%dma_start3A_237, %dma_start3A_238] : memref<10x8xi32, #tpu.memory_space<vmem>> -> memref<1x1xi32, #tpu.memory_space<vmem>>
    %dma_start3A_240 = tpu.memref_squeeze %dma_start3A_239 : memref<1x1xi32, #tpu.memory_space<vmem>> -> memref<1xi32, #tpu.memory_space<vmem>>
    %dma_start3A_241 = arith.constant 0 : i32
    %dma_start3A_242 = arith.constant 0 : i32
    %dma_start3A_243 = arith.constant 0 : i32
    %dma_start3A_244 = tpu.memref_slice %arg2[%dma_start3A_241, %dma_start3A_242, %dma_start3A_243] : memref<320x1x32000xf32, #tpu.memory_space<hbm>> -> memref<320x1x32000xf32, #tpu.memory_space<hbm>>
    tpu.enqueue_indirect_dma source(%dma_start3A_244 : memref<320x1x32000xf32, #tpu.memory_space<hbm>>) target(%arg7 : memref<1x1x32000xf32, #tpu.memory_space<vmem>>) offsets(%dma_start3A_240 : memref<1xi32, #tpu.memory_space<vmem>>) semaphore(%arg11 : memref<!tpu.dma_semaphore, #tpu.memory_space<semaphore_mem>>)
    %dma_wait3A_245 = arith.constant 8 : i32
    %dma_wait3A_246 = arith.constant 0 : i32
    %dma_wait3A_247 = tpu.memref_slice %arg5[%dma_wait3A_245, %dma_wait3A_246] : memref<10x8xi32, #tpu.memory_space<vmem>> -> memref<1x1xi32, #tpu.memory_space<vmem>>
    %dma_wait3A_248 = tpu.memref_squeeze %dma_wait3A_247 : memref<1x1xi32, #tpu.memory_space<vmem>> -> memref<1xi32, #tpu.memory_space<vmem>>
    %dma_wait3A_249 = arith.constant 0 : i32
    %dma_wait3A_250 = arith.constant 0 : i32
    %dma_wait3A_251 = arith.constant 0 : i32
    %dma_wait3A_252 = tpu.memref_slice %arg2[%dma_wait3A_249, %dma_wait3A_250, %dma_wait3A_251] : memref<320x1x32000xf32, #tpu.memory_space<hbm>> -> memref<320x1x32000xf32, #tpu.memory_space<hbm>>
    tpu.wait_indirect_dma semaphore(%arg10 : memref<!tpu.dma_semaphore, #tpu.memory_space<semaphore_mem>>) src(%dma_wait3A_252 : memref<320x1x32000xf32, #tpu.memory_space<hbm>>) dst(%arg6 : memref<1x1x32000xf32, #tpu.memory_space<vmem>>)
    %add3A_253 = arith.constant 8 : i32
    %add3A_254 = arith.addi %mul3A_2, %add3A_253 : i32
    %dma_start3A_255 = arith.constant 0 : i32
    %dma_start3A_256 = arith.constant 0 : i32
    %dma_start3A_257 = tpu.memref_slice %arg4[%add3A_254, %dma_start3A_255, %dma_start3A_256] : memref<320x1x32000xf32, #tpu.memory_space<hbm>> -> memref<1x1x32000xf32, #tpu.memory_space<hbm>>
    %dma_start3A_258 = arith.constant 0 : i32
    %dma_start3A_259 = arith.constant 0 : i32
    %dma_start3A_260 = tpu.memref_slice %arg4[%add3A_254, %dma_start3A_258, %dma_start3A_259] : memref<320x1x32000xf32, #tpu.memory_space<hbm>> -> memref<1x1x32000xf32, #tpu.memory_space<hbm>>
    tpu.enqueue_dma source(%arg6 : memref<1x1x32000xf32, #tpu.memory_space<vmem>>) target(%dma_start3A_260 : memref<1x1x32000xf32, #tpu.memory_space<hbm>>) target_semaphore(%arg14 : memref<!tpu.dma_semaphore, #tpu.memory_space<semaphore_mem>>)
    %dma_wait3A_261 = arith.constant 9 : i32
    %dma_wait3A_262 = arith.constant 0 : i32
    %dma_wait3A_263 = tpu.memref_slice %arg5[%dma_wait3A_261, %dma_wait3A_262] : memref<10x8xi32, #tpu.memory_space<vmem>> -> memref<1x1xi32, #tpu.memory_space<vmem>>
    %dma_wait3A_264 = tpu.memref_squeeze %dma_wait3A_263 : memref<1x1xi32, #tpu.memory_space<vmem>> -> memref<1xi32, #tpu.memory_space<vmem>>
    %dma_wait3A_265 = arith.constant 0 : i32
    %dma_wait3A_266 = arith.constant 0 : i32
    %dma_wait3A_267 = arith.constant 0 : i32
    %dma_wait3A_268 = tpu.memref_slice %arg2[%dma_wait3A_265, %dma_wait3A_266, %dma_wait3A_267] : memref<320x1x32000xf32, #tpu.memory_space<hbm>> -> memref<320x1x32000xf32, #tpu.memory_space<hbm>>
    tpu.wait_indirect_dma semaphore(%arg11 : memref<!tpu.dma_semaphore, #tpu.memory_space<semaphore_mem>>) src(%dma_wait3A_268 : memref<320x1x32000xf32, #tpu.memory_space<hbm>>) dst(%arg7 : memref<1x1x32000xf32, #tpu.memory_space<vmem>>)
    %add3A_269 = arith.constant 9 : i32
    %add3A_270 = arith.addi %mul3A_2, %add3A_269 : i32
    %dma_start3A_271 = arith.constant 0 : i32
    %dma_start3A_272 = arith.constant 0 : i32
    %dma_start3A_273 = tpu.memref_slice %arg4[%add3A_270, %dma_start3A_271, %dma_start3A_272] : memref<320x1x32000xf32, #tpu.memory_space<hbm>> -> memref<1x1x32000xf32, #tpu.memory_space<hbm>>
    %dma_start3A_274 = arith.constant 0 : i32
    %dma_start3A_275 = arith.constant 0 : i32
    %dma_start3A_276 = tpu.memref_slice %arg4[%add3A_270, %dma_start3A_274, %dma_start3A_275] : memref<320x1x32000xf32, #tpu.memory_space<hbm>> -> memref<1x1x32000xf32, #tpu.memory_space<hbm>>
    tpu.enqueue_dma source(%arg7 : memref<1x1x32000xf32, #tpu.memory_space<vmem>>) target(%dma_start3A_276 : memref<1x1x32000xf32, #tpu.memory_space<hbm>>) target_semaphore(%arg15 : memref<!tpu.dma_semaphore, #tpu.memory_space<semaphore_mem>>)
    %dma_wait3A_277 = arith.constant 0 : i32
    %dma_wait3A_278 = arith.constant 0 : i32
    %dma_wait3A_279 = tpu.memref_slice %arg4[%add3A_194, %dma_wait3A_277, %dma_wait3A_278] : memref<320x1x32000xf32, #tpu.memory_space<hbm>> -> memref<1x1x32000xf32, #tpu.memory_space<hbm>>
    %dma_wait3A_280 = arith.constant 0 : i32
    %dma_wait3A_281 = arith.constant 0 : i32
    %dma_wait3A_282 = tpu.memref_slice %arg4[%add3A_194, %dma_wait3A_280, %dma_wait3A_281] : memref<320x1x32000xf32, #tpu.memory_space<hbm>> -> memref<1x1x32000xf32, #tpu.memory_space<hbm>>
    tpu.wait_dma2 semaphore(%arg16 : memref<!tpu.dma_semaphore, #tpu.memory_space<semaphore_mem>>) src(%arg8 : memref<1x1x32000xf32, #tpu.memory_space<vmem>>) dst(%dma_wait3A_282 : memref<1x1x32000xf32, #tpu.memory_space<hbm>>)
    %dma_wait3A_283 = arith.constant 0 : i32
    %dma_wait3A_284 = arith.constant 0 : i32
    %dma_wait3A_285 = tpu.memref_slice %arg4[%add3A_224, %dma_wait3A_283, %dma_wait3A_284] : memref<320x1x32000xf32, #tpu.memory_space<hbm>> -> memref<1x1x32000xf32, #tpu.memory_space<hbm>>
    %dma_wait3A_286 = arith.constant 0 : i32
    %dma_wait3A_287 = arith.constant 0 : i32
    %dma_wait3A_288 = tpu.memref_slice %arg4[%add3A_224, %dma_wait3A_286, %dma_wait3A_287] : memref<320x1x32000xf32, #tpu.memory_space<hbm>> -> memref<1x1x32000xf32, #tpu.memory_space<hbm>>
    tpu.wait_dma2 semaphore(%arg17 : memref<!tpu.dma_semaphore, #tpu.memory_space<semaphore_mem>>) src(%arg9 : memref<1x1x32000xf32, #tpu.memory_space<vmem>>) dst(%dma_wait3A_288 : memref<1x1x32000xf32, #tpu.memory_space<hbm>>)
    %dma_wait3A_289 = arith.constant 0 : i32
    %dma_wait3A_290 = arith.constant 0 : i32
    %dma_wait3A_291 = tpu.memref_slice %arg4[%add3A_254, %dma_wait3A_289, %dma_wait3A_290] : memref<320x1x32000xf32, #tpu.memory_space<hbm>> -> memref<1x1x32000xf32, #tpu.memory_space<hbm>>
    %dma_wait3A_292 = arith.constant 0 : i32
    %dma_wait3A_293 = arith.constant 0 : i32
    %dma_wait3A_294 = tpu.memref_slice %arg4[%add3A_254, %dma_wait3A_292, %dma_wait3A_293] : memref<320x1x32000xf32, #tpu.memory_space<hbm>> -> memref<1x1x32000xf32, #tpu.memory_space<hbm>>
    tpu.wait_dma2 semaphore(%arg14 : memref<!tpu.dma_semaphore, #tpu.memory_space<semaphore_mem>>) src(%arg6 : memref<1x1x32000xf32, #tpu.memory_space<vmem>>) dst(%dma_wait3A_294 : memref<1x1x32000xf32, #tpu.memory_space<hbm>>)
    %dma_wait3A_295 = arith.constant 0 : i32
    %dma_wait3A_296 = arith.constant 0 : i32
    %dma_wait3A_297 = tpu.memref_slice %arg4[%add3A_270, %dma_wait3A_295, %dma_wait3A_296] : memref<320x1x32000xf32, #tpu.memory_space<hbm>> -> memref<1x1x32000xf32, #tpu.memory_space<hbm>>
    %dma_wait3A_298 = arith.constant 0 : i32
    %dma_wait3A_299 = arith.constant 0 : i32
    %dma_wait3A_300 = tpu.memref_slice %arg4[%add3A_270, %dma_wait3A_298, %dma_wait3A_299] : memref<320x1x32000xf32, #tpu.memory_space<hbm>> -> memref<1x1x32000xf32, #tpu.memory_space<hbm>>
    tpu.wait_dma2 semaphore(%arg15 : memref<!tpu.dma_semaphore, #tpu.memory_space<semaphore_mem>>) src(%arg7 : memref<1x1x32000xf32, #tpu.memory_space<vmem>>) dst(%dma_wait3A_300 : memref<1x1x32000xf32, #tpu.memory_space<hbm>>)
    return
  }
}

</mosaic_0001>

<sc_bundles>
// kernel: kernel.3.cloned.1.call-start
scs
__scs_entry_jumppad:
0x0: {  	(pc) =	sbr.rel $0x88, $3  }
0x1: {  	(tag) =	ssettag $0x0;
	lr =	simm.s32 $0x1  }
0x2: {  	[smem:$0x3FA0] =	sst lr;
	_ =	strace $0xD0000000  }
0x3: {  	_ = 	snop  }
0x4: {  	_ = 	snop  }
0x5: {  	_ = 	snop  }
0x6: {  	_ = 	snop  }
0x7: {  	_ = 	snop  }
__scs_overlays_trampoline_lowered:
0x8: {  	[smem:$0x3FAF] =	sst s0  }
0x9: {  	[smem:$0x3FB0] =	sst s1  }
0xa: {  	[smem:$0x3FB1] =	sst s2  }
0xb: {  	[smem:$0x3FB2] =	sst s3  }
0xc: {  	[smem:$0x3FB3] =	sst s4  }
0xd: {  	[smem:$0x3FB4] =	sst s5  }
0xe: {  	[smem:$0x3FB5] =	sst s6  }
0xf: {  	[smem:$0x3FB6] =	sst s7  }
0x10: {  	[smem:$0x3FB7] =	sst s8  }
0x11: {  	[smem:$0x3FB8] =	sst s9;
	s0 =	simm.s32 @!p0 $0x0  }
0x12: {  	s1 =	sld [smem:$0x3F9E];
	s0 =	simm.s32 @p0 $0x1  }
0x13: {  	[smem:$0x3FB9] =	sst s0;
	s0 =	simm.s32 @!p1 $0x0  }
0x14: {  	s2 =	sld [smem:$0x3F9D];
	s0 =	simm.s32 @p1 $0x1  }
0x15: {  	[smem:$0x3FBA] =	sst s0;
	s0 =	simm.s32 @!p2 $0x0  }
0x16: {  	s3 =	sld [smem:$0x3FDB];
	s0 =	simm.s32 @p2 $0x1  }
0x17: {  	s4 =	simm.s32 $0x1BF5;
	[smem:$0x3FBC] =	sst s0  }
0x18: {  	s0 =	sld [smem:$0x3F9F];
	_ =	swait.ge [sflag:s4], $0x0  }
0x19: {  	s7 =	sld [smem:$0x3FA0]  }
0x1a: {  	s8 =	sadd.s32 $0xFFFFE003, lr  }
0x1b: {  	s9 =	sadd.s32 $0xFFFFFEF7, lr;
	s5 =	simm.s32 $0xFFFFFFFF;
	p2 =	slt.u32 s8, $0xFFFFF086  }
0x1c: {  	p1 =	slt.u32 s9, $0xF7A;
	s5 =	simm.s32 @!p2 $0x0  }
0x1d: {  	s5 =	simm.s32 @p1 $0x1;
	p0 =	seq.s32 s7, s2  }
0x1e: {  	s7 =	smul.u32 @!p0 $0xF7A, s2;
	p2 =	seq.s32 @!p0 s5, $0x0  }
0x1f: {  	s9 =	smul.u32 $0xF7A, s1;
	s8 =	simm.s32 @!p0 $0x1BF5;
	p2 =	por !p2, p0  }
0x20: {  	[sflag:s8] =	ssyncset.s32 @!p0 $0xFFFFF086;
	s6 =	sadd.s32 @!p0 s3, s7;
	s7 =	simm.s32 @!p0 $0x108  }
0x21: {  	s3 =	sadd.s32 s3, s9;
	s6 =	sadd.s32 @!p0 $0x88, s6;
	s7 =	simm.s32 @p2 $0x1082  }
0x22: {  	[simem:s7], [sflag:s8] =	dma.local @!p0 [hbm:s6], $0xF7A  }
0x23: {  	s9 =	sor.u32 $0xD0000000, s2;
	s6 =	simm.s32 $0x108;
	_ =	swait.ge @!p0 [sflag:s8], $0x0  }
0x24: {  	s3 =	sadd.s32 $0x88, s3;
	s6 =	simm.s32 @!p1 $0x1082;
	[sflag:s4] =	ssyncset.s32 $0xFFFFF086  }
0x25: {  	[simem:s6], [sflag:s4] =	dma.local [hbm:s3], $0xF7A  }
0x26: {  	[smem:$0x3FA0] =	sst s1;
	(tag) =	ssettag s2;
	_ =	strace s9  }
0x27: {  	s1 =	sld [smem:$0x3FB0]  }
0x28: {  	s2 =	sld [smem:$0x3FB1]  }
0x29: {  	s4 =	sld [smem:$0x3FB3]  }
0x2a: {  	p0 =	seq.s32 s5, $0x0;
	s5 =	sld [smem:$0x3FB4]  }
0x2b: {  	s6 =	sld [smem:$0x3FB5]  }
0x2c: {  	s7 =	sld [smem:$0x3FB6]  }
0x2d: {  	s3 =	simm.s32 $0x108;
	s8 =	sld [smem:$0x3FB7]  }
0x2e: {  	s3 =	simm.s32 @!p0 $0x1082;
	s9 =	sld [smem:$0x3FB8]  }
0x2f: {  	lr =	sadd.s32 s0, s3;
	s0 =	sld [smem:$0x3FAF]  }
0x30: {  	s3 =	sld [smem:$0x3FB2]  }
0x31: {  	[smem:$0x3FBB] =	sst s10  }
0x32: {  	s10 =	sld [smem:$0x3FB9];
	_ =	sdelay $0x3  }
0x33: {  	p0 =	seq.s32 s10, $0x1;
	s10 =	sld [smem:$0x3FBB];
	_ =	sdelay $0x3  }
0x34: {  	[smem:$0x3FBB] =	sst s10  }
0x35: {  	s10 =	sld [smem:$0x3FBA];
	_ =	sdelay $0x3  }
0x36: {  	p1 =	seq.s32 s10, $0x1;
	s10 =	sld [smem:$0x3FBB];
	_ =	sdelay $0x3  }
0x37: {  	[smem:$0x3FBB] =	sst s10  }
0x38: {  	s10 =	sld [smem:$0x3FBC]  }
0x39: {  	_ = 	snop;
	(pc) =	sbr.ind lr, $3  }
0x3a: {  	_ = 	snop  }
0x3b: {  	_ = 	snop  }
0x3c: {  	p2 =	seq.s32 s10, $0x1;
	s10 =	sld [smem:$0x3FBB]  }
0x3d: {  	_ =	shalt  }
0x3e: {  	_ =	shalt  }
0x3f: {  	_ =	shalt  }
0x40: {  	_ =	shalt  }
0x41: {  	_ =	shalt  }
0x42: {  	_ =	shalt  }
0x43: {  	_ =	shalt  }
0x44: {  	_ =	shalt  }
0x45: {  	_ =	shalt  }
0x46: {  	_ =	shalt  }
0x47: {  	_ =	shalt  }
0x48: {  	_ =	shalt  }
0x49: {  	_ =	shalt  }
0x4a: {  	_ =	shalt  }
0x4b: {  	_ =	shalt  }
0x4c: {  	_ =	shalt  }
0x4d: {  	_ =	shalt  }
0x4e: {  	_ =	shalt  }
0x4f: {  	_ =	shalt  }
0x50: {  	_ =	shalt  }
0x51: {  	_ =	shalt  }
0x52: {  	_ =	shalt  }
0x53: {  	_ =	shalt  }
0x54: {  	_ =	shalt  }
0x55: {  	_ =	shalt  }
0x56: {  	_ =	shalt  }
0x57: {  	_ =	shalt  }
0x58: {  	_ =	shalt  }
0x59: {  	_ =	shalt  }
0x5a: {  	_ =	shalt  }
0x5b: {  	_ =	shalt  }
0x5c: {  	_ =	shalt  }
0x5d: {  	_ =	shalt  }
0x5e: {  	_ =	shalt  }
0x5f: {  	_ =	shalt  }
0x60: {  	_ =	shalt  }
0x61: {  	_ =	shalt  }
0x62: {  	_ =	shalt  }
0x63: {  	_ =	shalt  }
0x64: {  	_ =	shalt  }
0x65: {  	_ =	shalt  }
0x66: {  	_ =	shalt  }
0x67: {  	_ =	shalt  }
0x68: {  	_ =	shalt  }
0x69: {  	_ =	shalt  }
0x6a: {  	_ =	shalt  }
0x6b: {  	_ =	shalt  }
0x6c: {  	_ =	shalt  }
0x6d: {  	_ =	shalt  }
0x6e: {  	_ =	shalt  }
0x6f: {  	_ =	shalt  }
0x70: {  	_ =	shalt  }
0x71: {  	_ =	shalt  }
0x72: {  	_ =	shalt  }
0x73: {  	_ =	shalt  }
0x74: {  	_ =	shalt  }
0x75: {  	_ =	shalt  }
0x76: {  	_ =	shalt  }
0x77: {  	_ =	shalt  }
0x78: {  	_ =	shalt  }
0x79: {  	_ =	shalt  }
0x7a: {  	_ =	shalt  }
0x7b: {  	_ =	shalt  }
0x7c: {  	_ =	shalt  }
0x7d: {  	_ =	shalt  }
0x7e: {  	_ =	shalt  }
0x7f: {  	_ =	shalt  }
0x80: {  	_ =	shalt  }
0x81: {  	_ =	shalt  }
0x82: {  	_ =	shalt  }
0x83: {  	_ =	shalt  }
0x84: {  	_ =	shalt  }
0x85: {  	_ =	shalt  }
0x86: {  	_ =	shalt  }
0x87: {  	_ =	shalt  }
.Lfunc_end0:
.L_simem_size_0:
called_computation_lowered:
.L_overlay_start_0:
0x88: {  	s2 =	sld [smem:$0x3FD9]  }
0x89: {  	s3 =	sld [smem:$0x3FFE];
	_ =	sdelay $0x1  }
0x8a: {  	s1 =	srdreg.scid  }
0x8b: {  	s0 =	sand.u32 $0x1, s1  }
0x8c: {  	s17 =	sshll.u32 s0, $0xA;
	s2 =	sadd.s32 s3, s2  }
0x8d: {  	s2 =	sadd.s32 s2, s17  }
0x8e: {  	[smem:$0x3FC7] =	sst s2  }
0x8f: {  	_ = 	snop  }
0x90: {  	s2 =	sld [smem:$0x3FC9]  }
0x91: {  	s18 =	sld [smem:$0x3FD0];
	(tm) =	ssettm $0x1  }
0x92: {  	s4 =	sld [smem:$0x3FFB];
	_ =	sdelay $0x3  }
0x93: {  	_ =	strace s4  }
0x94: {  	s4 =	sld [smem:$0x3FFC];
	_ =	sdelay $0x3  }
0x95: {  	_ =	strace s4  }
0x96: {  	s4 =	sld [smem:$0x3FFD];
	_ =	sdelay $0x3  }
0x97: {  	_ =	strace s4  }
0x98: {  	_ =	strace $0x8FFFFFFF  }
0x99: {  	s19 =	sld [smem:$0x3FDB];
	_ =	sdelay $0x1  }
0x9a: {  	s5 =	simm.s32 $_scs_section_size  }
0x9b: {  	s6 =	simm.s32 $_size__tile_overlayer_lowered;
	s7 =	simm.s32 $_tile_overlayer_lowered  }
0x9c: {  	s22 =	simm.s32 $0x1BFF;
	s21 =	sshll.u32 s7, $0x1;
	s4 =	sadd.s32 s5, s19  }
0x9d: {  	s8 =	simm.s32 $0x0;
	s20 =	sshll.u32 s6, $0x1;
	s6 =	sadd.s32 s21, s4  }
0x9e: {  	[timem:s8], [sflag:s22] =	dma.local [hbm:s6], s20  }
0x9f: {  	_ =	swait.ge [sflag:s22], s20  }
0xa0: {  	s5 =	ssub.s32 $0x0, s20;
	[sflag:s22] =	ssyncset.done $0x0  }
0xa1: {  	[sflag:s22] =	ssyncadd.s32 s5;
	_ =	sdelay $0x1  }
0xa2: {  	s23 =	simm.s32 $0x1B8B  }
0xa3: {  	_ =	swait.ge [sflag:s23], $0x1  }
0xa4: {  	[sflag:s23] =	ssyncset.done $0x0  }
0xa5: {  	s25 =	simm.s32 $0x1B8E;
	s24 =	sld [smem:$0x3FFE];
	[sflag:s23] =	ssyncadd.s32 $0xFFFFFFFF  }
0xa6: {  	s26 =	simm.s32 $execute0_lowered;
	[smem:$0x3FD2] =	sst s25  }
0xa7: {  	s6 =	sshll.u32 s26, $0x1;
	_ =	strace $0x80000046;
	[dreg:$0x1] =	wrdreg $0xFFFFFFFF  }
0xa8: {  	s28 =	simm.s32 $_size_execute0_lowered;
	s4 =	sadd.s32 s4, s6;
	[dreg:$0x0] =	wrdreg $0x0  }
0xa9: {  	s6 =	sshll.u32 s28, $0x1;
	[dreg:$0x2] =	wrdreg s4  }
0xaa: {  	[dreg:$0x3] =	wrdreg s6  }
0xab: {  	[dreg:$0x4] =	wrdreg $0xC0  }
0xac: {  	_ =	task [dreg:s8], $0x5FFFF  }
0xad: {  	[dreg:$0x1] =	wrdreg $0xFFFFFFFF  }
0xae: {  	[dreg:$0x0] =	wrdreg $0x60  }
0xaf: {  	[dreg:$0x2] =	wrdreg s2  }
0xb0: {  	[dreg:$0x3] =	wrdreg s24  }
0xb1: {  	[dreg:$0x4] =	wrdreg s18  }
0xb2: {  	[dreg:$0x5] =	wrdreg $0x9  }
0xb3: {  	_ =	task.clear_ibuf [dreg:s8], $0x6FFFF;
	_ =	strace $0x90000046  }
0xb4: {  	s29 =	simm.s32 $0x9;
	_ =	strace $0x80000048  }
0xb5: {  	_ =	swait.ge [sflag:s29], $0x1  }
0xb6: {  	[sflag:s29] =	ssyncadd.s32 $0xFFFFFFFF  }
0xb7: {  	_ =	strace $0x90000048  }
0xb8: {  	_ =	sfence  }
0xb9: {  	s30 =	sld [smem:$0x0];
	_ =	sdelay $0x2  }
0xba: {  	s31 =	sshll.u32 s1, $0xD;
	s1 =	sshrl.u32 s1, $0x2  }
0xbb: {  	s3 =	sand.u32 $0x4000, s31;
	s1 =	sadd.s32 s1, s30  }
0xbc: {  	s0 =	sor.u32 s3, s0;
	s1 =	sshll.u32 s1, $0x11  }
0xbd: {  	s0 =	sor.u32 s1, s0  }
0xbe: {  	s0 =	sadd.s32 $0x8F2B, s0  }
0xbf: {  	[sflag:s0] =	ssyncadd.remote.s32 $0x1  }
0xc0: {  	_ =	sfence.sel $0xFFFF  }
0xc1: {  	[dreg:$0x0] =	wrdreg $0xFFFFFFFF;
	(pc) =	sbr.abs _section_cstart, $3  }
0xc2: {  	[dreg:$0x1] =	wrdreg $0xFFFFFFFF  }
0xc3: {  	_ =	task.clear_ibuf [dreg:s8], $0x2FFFF;
	_ =	strace $0x9FFFFFFF  }
0xc4: {  	(tm) =	ssettm $0x7FFFFFFF  }
0xc5: {  	_ =	shalt  }
tec
execute0_lowered:
.L_overlay_start_1:
0x0: {  	(tag) =	ssettag $0x1  }
0x1: {  	s1 =	srdreg.scid;
	s0 =	stileid.u32  }
0x2: {  	s2 =	rddreg [dreg:$0x0];
	s1 =	sand.u32 $0x1, s1;
	s3 =	sshll.u32 s0, $0x1  }
0x3: {  	s4 =	rddreg [dreg:$0x1];
	s6 =	sor.u32 s1, s3  }
0x4: {  	s3 =	simm.s32 $0x0;
	s7 =	sshll.u32 s6, $0x8;
	s8 =	smul.u32 $0x4E200, s6  }
0x5: {  	[smem:$0x7FF] =	sst s3;
	s6 =	smul.u32 $0x9C40, s6;
	s4 =	sadd.s32 s7, s4  }
0x6: {  	s5 =	rddreg [dreg:$0x2];
	_ =	strace $0x80000047;
	s4 =	sadd.s32 $0x400, s4  }
0x7: {  	s20 =	sshrl.u32 s8, $0x3;
	s21 =	sadd.s32 s5, s6;
	[dreg:$0x4] =	wrdreg s4  }
0x8: {  	s31 =	sadd.s32 s5, s20;
	[dreg:$0x5] =	wrdreg s21  }
0x9: {  	s22 =	sadd.s32 $0xFA0, s31;
	s25 =	rddreg [dreg:$0x4]  }
0xa: {  	s23 =	sadd.s32 $0x1F40, s31;
	[dreg:$0x6] =	wrdreg s22  }
0xb: {  	s24 =	sadd.s32 $0x2EE0, s31;
	[dreg:$0x7] =	wrdreg s23  }
0xc: {  	s26 =	sadd.s32 $0x3E80, s31;
	[dreg:$0x8] =	wrdreg s24  }
0xd: {  	s4 =	simm.s32 $0x9;
	[dreg:$0x9] =	wrdreg s26  }
0xe: {  	[tilespmem:s3], [sflag:$0x9] =	stream.linear.gather [hbm4b:s25+s3], $0x500, $0x38;
	[tilespmem:$0x1FC00] =	vst v63  }
0xf: {  	_ =	swait.ge [sflag:s4], $0x500  }
0x10: {  	[sflag:s4] =	ssyncset.done $0x0  }
0x11: {  	s6 =	simm.s32 $0x800;
	s5 =	simm.s32 $0x1;
	[sflag:s4] =	ssyncadd.s32 $0xFFFFFB00  }
0x12: {  	[tilespmem:s6], [sflag:$0x1] =	stream.indirect.gather [hbm4b:s2+s5], $0x7D00, s3, s5, $0xb8;
	[tilespmem:$0x1FC00] =	vst v63  }
0x13: {  	s7 =	simm.s32 $0x80;
	s8 =	simm.s32 $0x8500  }
0x14: {  	[tilespmem:s8], [sflag:$0x2] =	stream.indirect.gather [hbm4b:s2+s5], $0x7D00, s7, s5, $0xb8;
	[tilespmem:$0x1FC00] =	vst v63  }
0x15: {  	_ =	swait.ge [sflag:s5], $0x7D00  }
0x16: {  	[sflag:s5] =	ssyncset.done $0x0  }
0x17: {  	s9 =	rddreg [dreg:$0x5];
	[sflag:s5] =	ssyncadd.s32 $0xFFFF8300  }
0x18: {  	[hbm4b:s9+s3] =	stream.linear.scatter [tilespmem:s6], [sflag:$0x5], $0x7D00, $0x38;
	[tilespmem:$0x1FC00] =	vst v63  }
0x19: {  	s10 =	simm.s32 $0x10200;
	s11 =	simm.s32 $0x2;
	s9 =	simm.s32 $0x100  }
0x1a: {  	[tilespmem:s10], [sflag:$0x3] =	stream.indirect.gather [hbm4b:s2+s5], $0x7D00, s9, s5, $0xb8;
	[tilespmem:$0x1FC00] =	vst v63  }
0x1b: {  	_ =	swait.ge [sflag:s11], $0x7D00  }
0x1c: {  	[sflag:s11] =	ssyncset.done $0x0  }
0x1d: {  	s12 =	rddreg [dreg:$0x6];
	[sflag:s11] =	ssyncadd.s32 $0xFFFF8300  }
0x1e: {  	[hbm4b:s12+s3] =	stream.linear.scatter [tilespmem:s8], [sflag:$0x6], $0x7D00, $0x38;
	[tilespmem:$0x1FC00] =	vst v63  }
0x1f: {  	s13 =	simm.s32 $0x17F00;
	s14 =	simm.s32 $0x3;
	s12 =	simm.s32 $0x180  }
0x20: {  	[tilespmem:s13], [sflag:$0x4] =	stream.indirect.gather [hbm4b:s2+s5], $0x7D00, s12, s5, $0xb8;
	[tilespmem:$0x1FC00] =	vst v63  }
0x21: {  	_ =	swait.ge [sflag:s14], $0x7D00  }
0x22: {  	[sflag:s14] =	ssyncset.done $0x0  }
0x23: {  	s15 =	simm.s32 $0x5;
	s16 =	rddreg [dreg:$0x7];
	[sflag:s14] =	ssyncadd.s32 $0xFFFF8300  }
0x24: {  	[hbm4b:s16+s3] =	stream.linear.scatter [tilespmem:s10], [sflag:$0x7], $0x7D00, $0x38;
	[tilespmem:$0x1FC00] =	vst v63  }
0x25: {  	_ =	swait.ge [sflag:s15], $0x7D00  }
0x26: {  	[sflag:s15] =	ssyncset.done $0x0  }
0x27: {  	s17 =	simm.s32 $0x4;
	s16 =	simm.s32 $0x200;
	[sflag:s15] =	ssyncadd.s32 $0xFFFF8300  }
0x28: {  	[tilespmem:s6], [sflag:$0x1] =	stream.indirect.gather [hbm4b:s2+s5], $0x7D00, s16, s5, $0xb8;
	[tilespmem:$0x1FC00] =	vst v63  }
0x29: {  	_ =	swait.ge [sflag:s17], $0x7D00  }
0x2a: {  	[sflag:s17] =	ssyncset.done $0x0  }
0x2b: {  	s18 =	simm.s32 $0x6;
	s19 =	rddreg [dreg:$0x8];
	[sflag:s17] =	ssyncadd.s32 $0xFFFF8300  }
0x2c: {  	[hbm4b:s19+s3] =	stream.linear.scatter [tilespmem:s13], [sflag:$0x8], $0x7D00, $0x38;
	[tilespmem:$0x1FC00] =	vst v63  }
0x2d: {  	_ =	swait.ge [sflag:s18], $0x7D00  }
0x2e: {  	[sflag:s18] =	ssyncset.done $0x0  }
0x2f: {  	s19 =	simm.s32 $0x280;
	[sflag:s18] =	ssyncadd.s32 $0xFFFF8300  }
0x30: {  	[tilespmem:s8], [sflag:$0x2] =	stream.indirect.gather [hbm4b:s2+s5], $0x7D00, s19, s5, $0xb8;
	[tilespmem:$0x1FC00] =	vst v63  }
0x31: {  	_ =	swait.ge [sflag:s5], $0x7D00  }
0x32: {  	[sflag:s5] =	ssyncset.done $0x0  }
0x33: {  	s20 =	simm.s32 $0x7;
	s21 =	rddreg [dreg:$0x9];
	[sflag:s5] =	ssyncadd.s32 $0xFFFF8300  }
0x34: {  	[hbm4b:s21+s3] =	stream.linear.scatter [tilespmem:s6], [sflag:$0x5], $0x7D00, $0x38;
	[tilespmem:$0x1FC00] =	vst v63  }
0x35: {  	_ =	swait.ge [sflag:s20], $0x7D00  }
0x36: {  	[sflag:s20] =	ssyncset.done $0x0  }
0x37: {  	s21 =	simm.s32 $0x300;
	[sflag:s20] =	ssyncadd.s32 $0xFFFF8300  }
0x38: {  	[tilespmem:s10], [sflag:$0x3] =	stream.indirect.gather [hbm4b:s2+s5], $0x7D00, s21, s5, $0xb8;
	[tilespmem:$0x1FC00] =	vst v63  }
0x39: {  	_ =	swait.ge [sflag:s11], $0x7D00  }
0x3a: {  	[sflag:s11] =	ssyncset.done $0x0  }
0x3b: {  	s22 =	sadd.s32 $0x4E20, s31;
	s23 =	simm.s32 $0x8;
	[sflag:s11] =	ssyncadd.s32 $0xFFFF8300  }
0x3c: {  	[hbm4b:s22+s3] =	stream.linear.scatter [tilespmem:s8], [sflag:$0x6], $0x7D00, $0x38;
	[tilespmem:$0x1FC00] =	vst v63  }
0x3d: {  	_ =	swait.ge [sflag:s23], $0x7D00  }
0x3e: {  	[sflag:s23] =	ssyncset.done $0x0  }
0x3f: {  	s24 =	simm.s32 $0x380;
	[sflag:s23] =	ssyncadd.s32 $0xFFFF8300  }
0x40: {  	[tilespmem:s13], [sflag:$0x4] =	stream.indirect.gather [hbm4b:s2+s5], $0x7D00, s24, s5, $0xb8;
	[tilespmem:$0x1FC00] =	vst v63  }
0x41: {  	_ =	swait.ge [sflag:s14], $0x7D00  }
0x42: {  	[sflag:s14] =	ssyncset.done $0x0  }
0x43: {  	s25 =	sadd.s32 $0x5DC0, s31;
	[sflag:s14] =	ssyncadd.s32 $0xFFFF8300  }
0x44: {  	[hbm4b:s25+s3] =	stream.linear.scatter [tilespmem:s10], [sflag:$0x7], $0x7D00, $0x38;
	[tilespmem:$0x1FC00] =	vst v63  }
0x45: {  	_ =	swait.ge [sflag:s15], $0x7D00  }
0x46: {  	[sflag:s15] =	ssyncset.done $0x0  }
0x47: {  	s26 =	simm.s32 $0x400;
	[sflag:s15] =	ssyncadd.s32 $0xFFFF8300  }
0x48: {  	[tilespmem:s6], [sflag:$0x1] =	stream.indirect.gather [hbm4b:s2+s5], $0x7D00, s26, s5, $0xb8;
	[tilespmem:$0x1FC00] =	vst v63  }
0x49: {  	_ =	swait.ge [sflag:s17], $0x7D00  }
0x4a: {  	[sflag:s17] =	ssyncset.done $0x0  }
0x4b: {  	s28 =	sadd.s32 $0x6D60, s31;
	[sflag:s17] =	ssyncadd.s32 $0xFFFF8300  }
0x4c: {  	[hbm4b:s28+s3] =	stream.linear.scatter [tilespmem:s13], [sflag:$0x8], $0x7D00, $0x38;
	[tilespmem:$0x1FC00] =	vst v63  }
0x4d: {  	_ =	swait.ge [sflag:s18], $0x7D00  }
0x4e: {  	[sflag:s18] =	ssyncset.done $0x0  }
0x4f: {  	s29 =	simm.s32 $0x480;
	[sflag:s18] =	ssyncadd.s32 $0xFFFF8300  }
0x50: {  	[tilespmem:s8], [sflag:$0x2] =	stream.indirect.gather [hbm4b:s2+s5], $0x7D00, s29, s5, $0xb8;
	[tilespmem:$0x1FC00] =	vst v63  }
0x51: {  	_ =	swait.ge [sflag:s5], $0x7D00  }
0x52: {  	[sflag:s5] =	ssyncset.done $0x0  }
0x53: {  	s30 =	sadd.s32 $0x7D00, s31;
	[sflag:s5] =	ssyncadd.s32 $0xFFFF8300  }
0x54: {  	[hbm4b:s30+s3] =	stream.linear.scatter [tilespmem:s6], [sflag:$0x5], $0x7D00, $0x38;
	[tilespmem:$0x1FC00] =	vst v63  }
0x55: {  	_ =	swait.ge [sflag:s11], $0x7D00  }
0x56: {  	[sflag:s11] =	ssyncset.done $0x0  }
0x57: {  	s31 =	sadd.s32 $0x8CA0, s31;
	[sflag:s11] =	ssyncadd.s32 $0xFFFF8300  }
0x58: {  	[hbm4b:s31+s3] =	stream.linear.scatter [tilespmem:s8], [sflag:$0x6], $0x7D00, $0x38;
	[tilespmem:$0x1FC00] =	vst v63  }
0x59: {  	s1 =	ssub.s32 $0x2, s1;
	_ =	swait.ge [sflag:s20], $0x7D00  }
0x5a: {  	s0 =	sshrl.u32 s1, $0x1;
	[sflag:s20] =	ssyncset.done $0x0  }
0x5b: {  	s0 =	ssub.s32 s1, s0;
	[sflag:s20] =	ssyncadd.s32 $0xFFFF8300  }
0x5c: {  	s0 =	smax.u32 s0, $0x1;
	_ =	swait.ge [sflag:s23], $0x7D00  }
0x5d: {  	p0 =	sne.s32 s0, $0x1;
	[sflag:s23] =	ssyncset.done $0x0  }
.Ltmp0:
0x5e: {  	[sflag:s23] =	ssyncadd.s32 $0xFFFF8300;
	(pc) =	sbr.rel @!p0 .LBB2_2-.Ltmp0, $4  }
0x5f: {  	_ =	swait.ge [sflag:s15], $0x7D00  }
0x60: {  	[sflag:s15] =	ssyncset.done $0x0  }
0x61: {  	[sflag:s15] =	ssyncadd.s32 $0xFFFF8300  }
0x62: {  	s1 =	sadd.s32 $0xFFFFFFFF, s0;
	_ =	swait.ge [sflag:s18], $0x7D00  }
.LBB2_1:
0x63: {  	[sflag:s18] =	ssyncset.done $0x0  }
0x64: {  	s0 =	rddreg [dreg:$0x4];
	[sflag:s18] =	ssyncadd.s32 $0xFFFF8300  }
0x65: {  	[tilespmem:s3], [sflag:$0x9] =	stream.linear.gather [hbm4b:s0+s3], $0x500, $0x38;
	[tilespmem:$0x1FC00] =	vst v63  }
0x66: {  	_ =	swait.ge [sflag:s4], $0x500  }
0x67: {  	[sflag:s4] =	ssyncset.done $0x0  }
0x68: {  	[sflag:s4] =	ssyncadd.s32 $0xFFFFFB00  }
0x69: {  	[tilespmem:s6], [sflag:$0x1] =	stream.indirect.gather [hbm4b:s2+s5], $0x7D00, s3, s5, $0xb8;
	[tilespmem:$0x1FC00] =	vst v63  }
0x6a: {  	_ = 	snop  }
0x6b: {  	[tilespmem:s8], [sflag:$0x2] =	stream.indirect.gather [hbm4b:s2+s5], $0x7D00, s7, s5, $0xb8;
	[tilespmem:$0x1FC00] =	vst v63  }
0x6c: {  	_ =	swait.ge [sflag:s5], $0x7D00  }
0x6d: {  	[sflag:s5] =	ssyncset.done $0x0  }
0x6e: {  	s0 =	rddreg [dreg:$0x5];
	[sflag:s5] =	ssyncadd.s32 $0xFFFF8300  }
0x6f: {  	[hbm4b:s0+s3] =	stream.linear.scatter [tilespmem:s6], [sflag:$0x5], $0x7D00, $0x38;
	[tilespmem:$0x1FC00] =	vst v63  }
0x70: {  	_ = 	snop  }
0x71: {  	[tilespmem:s10], [sflag:$0x3] =	stream.indirect.gather [hbm4b:s2+s5], $0x7D00, s9, s5, $0xb8;
	[tilespmem:$0x1FC00] =	vst v63  }
0x72: {  	_ =	swait.ge [sflag:s11], $0x7D00  }
0x73: {  	[sflag:s11] =	ssyncset.done $0x0  }
0x74: {  	s0 =	rddreg [dreg:$0x6];
	[sflag:s11] =	ssyncadd.s32 $0xFFFF8300  }
0x75: {  	[hbm4b:s0+s3] =	stream.linear.scatter [tilespmem:s8], [sflag:$0x6], $0x7D00, $0x38;
	[tilespmem:$0x1FC00] =	vst v63  }
0x76: {  	_ = 	snop  }
0x77: {  	[tilespmem:s13], [sflag:$0x4] =	stream.indirect.gather [hbm4b:s2+s5], $0x7D00, s12, s5, $0xb8;
	[tilespmem:$0x1FC00] =	vst v63  }
0x78: {  	_ =	swait.ge [sflag:s14], $0x7D00  }
0x79: {  	[sflag:s14] =	ssyncset.done $0x0  }
0x7a: {  	s0 =	rddreg [dreg:$0x7];
	[sflag:s14] =	ssyncadd.s32 $0xFFFF8300  }
0x7b: {  	[hbm4b:s0+s3] =	stream.linear.scatter [tilespmem:s10], [sflag:$0x7], $0x7D00, $0x38;
	[tilespmem:$0x1FC00] =	vst v63  }
0x7c: {  	_ =	swait.ge [sflag:s15], $0x7D00  }
0x7d: {  	[sflag:s15] =	ssyncset.done $0x0  }
0x7e: {  	[sflag:s15] =	ssyncadd.s32 $0xFFFF8300  }
0x7f: {  	[tilespmem:s6], [sflag:$0x1] =	stream.indirect.gather [hbm4b:s2+s5], $0x7D00, s16, s5, $0xb8;
	[tilespmem:$0x1FC00] =	vst v63  }
0x80: {  	_ =	swait.ge [sflag:s17], $0x7D00  }
0x81: {  	[sflag:s17] =	ssyncset.done $0x0  }
0x82: {  	s0 =	rddreg [dreg:$0x8];
	[sflag:s17] =	ssyncadd.s32 $0xFFFF8300  }
0x83: {  	[hbm4b:s0+s3] =	stream.linear.scatter [tilespmem:s13], [sflag:$0x8], $0x7D00, $0x38;
	[tilespmem:$0x1FC00] =	vst v63  }
0x84: {  	_ =	swait.ge [sflag:s18], $0x7D00  }
0x85: {  	[sflag:s18] =	ssyncset.done $0x0  }
0x86: {  	[sflag:s18] =	ssyncadd.s32 $0xFFFF8300  }
0x87: {  	[tilespmem:s8], [sflag:$0x2] =	stream.indirect.gather [hbm4b:s2+s5], $0x7D00, s19, s5, $0xb8;
	[tilespmem:$0x1FC00] =	vst v63  }
0x88: {  	_ =	swait.ge [sflag:s5], $0x7D00  }
0x89: {  	[sflag:s5] =	ssyncset.done $0x0  }
0x8a: {  	s0 =	rddreg [dreg:$0x9];
	[sflag:s5] =	ssyncadd.s32 $0xFFFF8300  }
0x8b: {  	[hbm4b:s0+s3] =	stream.linear.scatter [tilespmem:s6], [sflag:$0x5], $0x7D00, $0x38;
	[tilespmem:$0x1FC00] =	vst v63  }
0x8c: {  	_ =	swait.ge [sflag:s20], $0x7D00  }
0x8d: {  	[sflag:s20] =	ssyncset.done $0x0  }
0x8e: {  	[sflag:s20] =	ssyncadd.s32 $0xFFFF8300  }
0x8f: {  	[tilespmem:s10], [sflag:$0x3] =	stream.indirect.gather [hbm4b:s2+s5], $0x7D00, s21, s5, $0xb8;
	[tilespmem:$0x1FC00] =	vst v63  }
0x90: {  	_ =	swait.ge [sflag:s11], $0x7D00  }
0x91: {  	[sflag:s11] =	ssyncset.done $0x0  }
0x92: {  	[sflag:s11] =	ssyncadd.s32 $0xFFFF8300  }
0x93: {  	[hbm4b:s22+s3] =	stream.linear.scatter [tilespmem:s8], [sflag:$0x6], $0x7D00, $0x38;
	[tilespmem:$0x1FC00] =	vst v63  }
0x94: {  	_ =	swait.ge [sflag:s23], $0x7D00  }
0x95: {  	[sflag:s23] =	ssyncset.done $0x0  }
0x96: {  	[sflag:s23] =	ssyncadd.s32 $0xFFFF8300  }
0x97: {  	[tilespmem:s13], [sflag:$0x4] =	stream.indirect.gather [hbm4b:s2+s5], $0x7D00, s24, s5, $0xb8;
	[tilespmem:$0x1FC00] =	vst v63  }
0x98: {  	_ =	swait.ge [sflag:s14], $0x7D00  }
0x99: {  	[sflag:s14] =	ssyncset.done $0x0  }
0x9a: {  	[sflag:s14] =	ssyncadd.s32 $0xFFFF8300  }
0x9b: {  	[hbm4b:s25+s3] =	stream.linear.scatter [tilespmem:s10], [sflag:$0x7], $0x7D00, $0x38;
	[tilespmem:$0x1FC00] =	vst v63  }
0x9c: {  	_ =	swait.ge [sflag:s15], $0x7D00  }
0x9d: {  	[sflag:s15] =	ssyncset.done $0x0  }
0x9e: {  	[sflag:s15] =	ssyncadd.s32 $0xFFFF8300  }
0x9f: {  	[tilespmem:s6], [sflag:$0x1] =	stream.indirect.gather [hbm4b:s2+s5], $0x7D00, s26, s5, $0xb8;
	[tilespmem:$0x1FC00] =	vst v63  }
0xa0: {  	_ =	swait.ge [sflag:s17], $0x7D00  }
0xa1: {  	[sflag:s17] =	ssyncset.done $0x0  }
0xa2: {  	[sflag:s17] =	ssyncadd.s32 $0xFFFF8300  }
0xa3: {  	[hbm4b:s28+s3] =	stream.linear.scatter [tilespmem:s13], [sflag:$0x8], $0x7D00, $0x38;
	[tilespmem:$0x1FC00] =	vst v63  }
0xa4: {  	_ =	swait.ge [sflag:s18], $0x7D00  }
0xa5: {  	[sflag:s18] =	ssyncset.done $0x0  }
0xa6: {  	[sflag:s18] =	ssyncadd.s32 $0xFFFF8300  }
0xa7: {  	[tilespmem:s8], [sflag:$0x2] =	stream.indirect.gather [hbm4b:s2+s5], $0x7D00, s29, s5, $0xb8;
	[tilespmem:$0x1FC00] =	vst v63  }
0xa8: {  	_ =	swait.ge [sflag:s5], $0x7D00  }
0xa9: {  	[sflag:s5] =	ssyncset.done $0x0  }
0xaa: {  	[sflag:s5] =	ssyncadd.s32 $0xFFFF8300  }
0xab: {  	[hbm4b:s30+s3] =	stream.linear.scatter [tilespmem:s6], [sflag:$0x5], $0x7D00, $0x38;
	[tilespmem:$0x1FC00] =	vst v63  }
0xac: {  	_ =	swait.ge [sflag:s11], $0x7D00  }
0xad: {  	[sflag:s11] =	ssyncset.done $0x0  }
0xae: {  	[sflag:s11] =	ssyncadd.s32 $0xFFFF8300  }
0xaf: {  	[hbm4b:s31+s3] =	stream.linear.scatter [tilespmem:s8], [sflag:$0x6], $0x7D00, $0x38;
	[tilespmem:$0x1FC00] =	vst v63  }
0xb0: {  	_ =	swait.ge [sflag:s20], $0x7D00  }
0xb1: {  	[sflag:s20] =	ssyncset.done $0x0  }
0xb2: {  	[sflag:s20] =	ssyncadd.s32 $0xFFFF8300  }
0xb3: {  	_ =	swait.ge [sflag:s23], $0x7D00  }
0xb4: {  	p0 =	sne.s32 s1, $0x1;
	[sflag:s23] =	ssyncset.done $0x0  }
.Ltmp1:
0xb5: {  	[sflag:s23] =	ssyncadd.s32 $0xFFFF8300;
	(pc) =	sbr.rel @p0 .LBB2_1-.Ltmp1, $4  }
0xb6: {  	_ =	swait.ge [sflag:s15], $0x7D00  }
0xb7: {  	[sflag:s15] =	ssyncset.done $0x0  }
0xb8: {  	[sflag:s15] =	ssyncadd.s32 $0xFFFF8300  }
0xb9: {  	s1 =	sadd.s32 $0xFFFFFFFF, s1;
	_ =	swait.ge [sflag:s18], $0x7D00  }
.LBB2_2:
0xba: {  	[sflag:s18] =	ssyncset.done $0x0  }
0xbb: {  	[sflag:s18] =	ssyncadd.s32 $0xFFFF8300  }
0xbc: {  	_ =	sfence.sel $0x180000  }
0xbd: {  	[bflag:$0x0] =	sbarrier.arrive $0xFFFF  }
0xbe: {  	_ =	strace $0x90000047  }
0xbf: {  	s0 =	stileid.u32;
	[bflag:$0x2] =	sbarrier.arrive $0xFFFF  }
0xc0: {  	p0 =	sne.s32 s0, $0x0;
	s0 =	rddreg [dreg:$0x3]  }
0xc1: {  	s0 =	sadd.s32 @!p0 $0x100000, s0  }
0xc2: {  	[sflag:s0] =	ssyncadd.tile.s32 @!p0 $0x1;
	_ =	shalt  }
.Lfunc_end2:
_tile_overlayer_lowered:
.L_overlay_start_2:
0xc3: {  	(tag) =	ssettag $0x2  }
0xc4: {  	s0 =	rddreg [dreg:$0x0];
	s2 =	stileid.u32  }
0xc5: {  	s1 =	rddreg [dreg:$0x1];
	p0 =	sne.s32 s2, $0x0  }
0xc6: {  	s3 =	rddreg [dreg:$0x2];
	[bflag:$0x3] =	sbarrier.arrive $0xFFFF;
	s2 =	simm.s32 @!p0 $0x1C09  }
0xc7: {  	[timem:s3], [sflag:s2] =	dma.local @!p0 [hbm:s0], s1  }
0xc8: {  	s0 =	simm.s32 @!p0 $0x9  }
0xc9: {  	_ =	swait.ge @!p0 [sflag:s0], s1  }
0xca: {  	s1 =	ssub.s32 @!p0 $0x0, s1;
	[sflag:s0] =	ssyncset.done @!p0 $0x0  }
0xcb: {  	[sflag:s0] =	ssyncadd.s32 @!p0 s1  }
0xcc: {  	[bflag:$0x3] =	sbarrier.arrive $0xFFFF  }
0xcd: {  	_ =	shalt  }

</sc_bundles>
